<compile_context>
chip_gen: v7x
topology: tpu7x:2x2x1
jax: 0.10.2.dev20260603
libtpu: 0.0.44.dev20260713+nightly
codegen_flags: <defaults>
</compile_context>

<pallas_src>
import jax
import jax.numpy as jnp
from jax import lax
from jax.experimental import pallas as pl
from jax.experimental.pallas import tpu as pltpu
from jax.experimental.pallas import tpu_sc as plsc

B, C, H, W = 2, 768, 112, 112
HW = H * W
PLANE = 4 * HW
ROWS = B * C
NW = 32
ROWS_PER_W = ROWS // NW


_UNROLL = 16


def _unpool_body(
    vals_hbm, idx_hbm, out_hbm, idx0, val0, idx1, val1, plane_v, sem0, sem1
):
    wid = lax.axis_index("s") * 2 + lax.axis_index("c")

    zeros16 = jnp.zeros((16,), jnp.float32)
    sentinel = jnp.full((16,), -1, jnp.int32)

    def zbody(i, c):
        for u in range(_UNROLL):
            plane_v[pl.ds((i * _UNROLL + u) * 16, 16)] = zeros16
        return c

    lax.fori_loop(0, PLANE // 16 // _UNROLL, zbody, 0)

    def process(row, idx_v, val_v):
        idx_v[pl.ds(HW, 16)] = sentinel
        base = jnp.full((16,), row * PLANE, jnp.int32)

        def sbody(i, c):
            for u in range(_UNROLL):
                off = (i * _UNROLL + u) * 16
                ii = idx_v[pl.ds(off, 16)]
                keep = ii != idx_v[pl.ds(off + 1, 16)]
                vv = val_v[pl.ds(off, 16)]
                plsc.store_scatter(plane_v, [ii - base], vv, mask=keep)
            return c

        lax.fori_loop(0, HW // 16 // _UNROLL, sbody, 0)

        pltpu.sync_copy(plane_v, out_hbm.at[pl.ds(row * PLANE, PLANE)])

        def wipe_body(i, c):
            for u in range(_UNROLL):
                off = (i * _UNROLL + u) * 16
                plsc.store_scatter(plane_v, [idx_v[pl.ds(off, 16)] - base], zeros16)
            return c

        lax.fori_loop(0, HW // 16 // _UNROLL, wipe_body, 0)

    def do_pair(i, carry):
        r0 = wid * ROWS_PER_W + 2 * i
        r1 = r0 + 1
        c0a = pltpu.async_copy(
            idx_hbm.at[pl.ds(r0 * HW, HW)], idx0.at[pl.ds(0, HW)], sem0
        )
        c0b = pltpu.async_copy(vals_hbm.at[pl.ds(r0 * HW, HW)], val0, sem0)
        c1a = pltpu.async_copy(
            idx_hbm.at[pl.ds(r1 * HW, HW)], idx1.at[pl.ds(0, HW)], sem1
        )
        c1b = pltpu.async_copy(vals_hbm.at[pl.ds(r1 * HW, HW)], val1, sem1)
        c0a.wait()
        c0b.wait()
        process(r0, idx0, val0)
        c1a.wait()
        c1b.wait()
        process(r1, idx1, val1)
        return carry

    lax.fori_loop(0, ROWS_PER_W // 2, do_pair, 0)


@jax.jit
def kernel(inputs, indices):
    vals = inputs.reshape(ROWS * HW)
    rows = jnp.arange(ROWS, dtype=jnp.int32)[:, None]
    keys = (indices.reshape(ROWS, HW) + rows * PLANE).reshape(ROWS * HW)
    skey, sval = lax.sort((keys, vals), num_keys=1, is_stable=False)

    mesh = plsc.VectorSubcoreMesh(core_axis_name="c", subcore_axis_name="s")
    out = pl.kernel(
        _unpool_body,
        mesh=mesh,
        compiler_params=pltpu.CompilerParams(
            needs_layout_passes=False,
            use_tc_tiling_on_sc=False,
        ),
        out_type=jax.ShapeDtypeStruct((ROWS * PLANE,), jnp.float32),
        scratch_types=[
            pltpu.VMEM((HW + 16,), jnp.int32),
            pltpu.VMEM((HW,), jnp.float32),
            pltpu.VMEM((HW + 16,), jnp.int32),
            pltpu.VMEM((HW,), jnp.float32),
            pltpu.VMEM((PLANE,), jnp.float32),
            pltpu.SemaphoreType.DMA,
            pltpu.SemaphoreType.DMA,
        ],
    )(sval, skey)
    return out.reshape(B, C, 2 * H, 2 * W)

# --- scband reference (transcript-rebuilt; emitter-appended) ---
"""Pipeline reference for scband-vggmax-unpool-43293270344217 (READ-ONLY COPY).

The authoritative reference and input builder live on the scoring server;
editing this copy changes nothing except your own understanding.
"""

import jax, jax.numpy as jnp
import numpy as np


def setup_inputs(seed: int = 0) -> dict:
    key = jax.random.key(seed)
    k1, k2 = jax.random.split(key)
    inputs = jax.random.normal(k1, (2, 768, 112, 112), dtype=jnp.float32)
    # indices index into the flattened 224*224 = 50176 output plane per (b, c)
    indices = jax.random.randint(k2, (2, 768, 112, 112), 0, 50176, dtype=jnp.int32)
    return {"inputs": inputs, "indices": indices}


def reference(inputs, indices):
    # Faithful translation of nn.MaxUnpool2d(kernel_size=2, stride=2, padding=0):
    # output spatial dims are (2H, 2W); each input value is scattered into the
    # flattened output plane at position `indices[b, c, h, w]`, rest are zeros.
    B, C, H, W = inputs.shape
    Ho, Wo = 2 * H, 2 * W
    flat_in = inputs.reshape(B * C, H * W)
    flat_idx = indices.reshape(B * C, H * W)
    rows = jnp.arange(B * C)[:, None]
    out = jnp.zeros((B * C, Ho * Wo), dtype=inputs.dtype)
    out = out.at[rows, flat_idx].set(flat_in)
    return out.reshape(B, C, Ho, Wo)

if __name__ == "__main__":
    import jax
    _d = setup_inputs()
    print(jax.jit(kernel)(*tuple(_d.values())))

</pallas_src>

<mosaic_0001>
#map = affine_map<(d0, d1) -> (0)>
module attributes {stable_mosaic.version = 14 : i64} {
  func.func @_unpool_body(%arg0: i32, %arg1: i32, %arg2: memref<19267584xf32, #tpu.memory_space<hbm>>, %arg3: memref<19267584xi32, #tpu.memory_space<hbm>>, %arg4: memref<77070336xf32, #tpu.memory_space<hbm>>, %arg5: memref<12560xi32, #tpu.memory_space<vmem>>, %arg6: memref<12544xf32, #tpu.memory_space<vmem>>, %arg7: memref<12560xi32, #tpu.memory_space<vmem>>, %arg8: memref<12544xf32, #tpu.memory_space<vmem>>, %arg9: memref<50176xf32, #tpu.memory_space<vmem>>, %arg10: memref<!tpu.dma_semaphore, #tpu.memory_space<semaphore_mem>>, %arg11: memref<!tpu.dma_semaphore, #tpu.memory_space<semaphore_mem>>) attributes {dimension_semantics = [#tpu.dimension_semantics<core_parallel>, #tpu.dimension_semantics<subcore_parallel>], iteration_bounds = array<i64: 2, 16>, scalar_prefetch = 0 : i64, scratch_operands = 7 : i64, tpu.core_type = #tpu.core_type<sc_vector_subcore>, window_params = [{transform_indices = #map}, {transform_indices = #map}, {transform_indices = #map}]} {
    %mul3A = arith.constant 2 : i32
    %mul3A_0 = arith.muli %arg1, %mul3A : i32
    %add3A = arith.addi %mul3A_0, %arg0 : i32
    %broadcast_in_dim3A = arith.constant 0.000000e+00 : f32
    %broadcast_in_dim3A_1 = vector.broadcast %broadcast_in_dim3A : f32 to vector<16xf32>
    %broadcast_in_dim3A_2 = arith.constant -1 : i32
    %broadcast_in_dim3A_3 = vector.broadcast %broadcast_in_dim3A_2 : i32 to vector<16xi32>
    %scan3A = arith.constant 0 : i32
    %scan3A_4 = arith.constant 0 : i32
    %scan3A_5 = arith.constant 196 : i32
    %scan3A_6 = arith.addi %scan3A_4, %scan3A_5 : i32
    %scan3A_7 = arith.constant 1 : i32
    scf.for %scan3A_15 = %scan3A_4 to %scan3A_6 step %scan3A_7  : i32 {
      %mul3A_16 = arith.constant 16 : i32
      %mul3A_17 = arith.muli %scan3A_15, %mul3A_16 : i32
      %add3A_18 = arith.constant 0 : i32
      %add3A_19 = arith.addi %mul3A_17, %add3A_18 : i32
      %mul3A_20 = arith.constant 16 : i32
      %mul3A_21 = arith.muli %add3A_19, %mul3A_20 : i32
      %swap3A = arith.index_cast %mul3A_21 : i32 to index
      %swap3A_22 = tpu.vector_load %arg9[%swap3A] {strides = array<i32>} : memref<50176xf32, #tpu.memory_space<vmem>>, vector<16xf32>,
      tpu.vector_store %arg9[%swap3A], %broadcast_in_dim3A_1 {strides = array<i32>} : memref<50176xf32, #tpu.memory_space<vmem>>, vector<16xf32>,
      %mul3A_23 = arith.constant 16 : i32
      %mul3A_24 = arith.muli %scan3A_15, %mul3A_23 : i32
      %add3A_25 = arith.constant 1 : i32
      %add3A_26 = arith.addi %mul3A_24, %add3A_25 : i32
      %mul3A_27 = arith.constant 16 : i32
      %mul3A_28 = arith.muli %add3A_26, %mul3A_27 : i32
      %swap3A_29 = arith.index_cast %mul3A_28 : i32 to index
      %swap3A_30 = tpu.vector_load %arg9[%swap3A_29] {strides = array<i32>} : memref<50176xf32, #tpu.memory_space<vmem>>, vector<16xf32>,
      tpu.vector_store %arg9[%swap3A_29], %broadcast_in_dim3A_1 {strides = array<i32>} : memref<50176xf32, #tpu.memory_space<vmem>>, vector<16xf32>,
      %mul3A_31 = arith.constant 16 : i32
      %mul3A_32 = arith.muli %scan3A_15, %mul3A_31 : i32
      %add3A_33 = arith.constant 2 : i32
      %add3A_34 = arith.addi %mul3A_32, %add3A_33 : i32
      %mul3A_35 = arith.constant 16 : i32
      %mul3A_36 = arith.muli %add3A_34, %mul3A_35 : i32
      %swap3A_37 = arith.index_cast %mul3A_36 : i32 to index
      %swap3A_38 = tpu.vector_load %arg9[%swap3A_37] {strides = array<i32>} : memref<50176xf32, #tpu.memory_space<vmem>>, vector<16xf32>,
      tpu.vector_store %arg9[%swap3A_37], %broadcast_in_dim3A_1 {strides = array<i32>} : memref<50176xf32, #tpu.memory_space<vmem>>, vector<16xf32>,
      %mul3A_39 = arith.constant 16 : i32
      %mul3A_40 = arith.muli %scan3A_15, %mul3A_39 : i32
      %add3A_41 = arith.constant 3 : i32
      %add3A_42 = arith.addi %mul3A_40, %add3A_41 : i32
      %mul3A_43 = arith.constant 16 : i32
      %mul3A_44 = arith.muli %add3A_42, %mul3A_43 : i32
      %swap3A_45 = arith.index_cast %mul3A_44 : i32 to index
      %swap3A_46 = tpu.vector_load %arg9[%swap3A_45] {strides = array<i32>} : memref<50176xf32, #tpu.memory_space<vmem>>, vector<16xf32>,
      tpu.vector_store %arg9[%swap3A_45], %broadcast_in_dim3A_1 {strides = array<i32>} : memref<50176xf32, #tpu.memory_space<vmem>>, vector<16xf32>,
      %mul3A_47 = arith.constant 16 : i32
      %mul3A_48 = arith.muli %scan3A_15, %mul3A_47 : i32
      %add3A_49 = arith.constant 4 : i32
      %add3A_50 = arith.addi %mul3A_48, %add3A_49 : i32
      %mul3A_51 = arith.constant 16 : i32
      %mul3A_52 = arith.muli %add3A_50, %mul3A_51 : i32
      %swap3A_53 = arith.index_cast %mul3A_52 : i32 to index
      %swap3A_54 = tpu.vector_load %arg9[%swap3A_53] {strides = array<i32>} : memref<50176xf32, #tpu.memory_space<vmem>>, vector<16xf32>,
      tpu.vector_store %arg9[%swap3A_53], %broadcast_in_dim3A_1 {strides = array<i32>} : memref<50176xf32, #tpu.memory_space<vmem>>, vector<16xf32>,
      %mul3A_55 = arith.constant 16 : i32
      %mul3A_56 = arith.muli %scan3A_15, %mul3A_55 : i32
      %add3A_57 = arith.constant 5 : i32
      %add3A_58 = arith.addi %mul3A_56, %add3A_57 : i32
      %mul3A_59 = arith.constant 16 : i32
      %mul3A_60 = arith.muli %add3A_58, %mul3A_59 : i32
      %swap3A_61 = arith.index_cast %mul3A_60 : i32 to index
      %swap3A_62 = tpu.vector_load %arg9[%swap3A_61] {strides = array<i32>} : memref<50176xf32, #tpu.memory_space<vmem>>, vector<16xf32>,
      tpu.vector_store %arg9[%swap3A_61], %broadcast_in_dim3A_1 {strides = array<i32>} : memref<50176xf32, #tpu.memory_space<vmem>>, vector<16xf32>,
      %mul3A_63 = arith.constant 16 : i32
      %mul3A_64 = arith.muli %scan3A_15, %mul3A_63 : i32
      %add3A_65 = arith.constant 6 : i32
      %add3A_66 = arith.addi %mul3A_64, %add3A_65 : i32
      %mul3A_67 = arith.constant 16 : i32
      %mul3A_68 = arith.muli %add3A_66, %mul3A_67 : i32
      %swap3A_69 = arith.index_cast %mul3A_68 : i32 to index
      %swap3A_70 = tpu.vector_load %arg9[%swap3A_69] {strides = array<i32>} : memref<50176xf32, #tpu.memory_space<vmem>>, vector<16xf32>,
      tpu.vector_store %arg9[%swap3A_69], %broadcast_in_dim3A_1 {strides = array<i32>} : memref<50176xf32, #tpu.memory_space<vmem>>, vector<16xf32>,
      %mul3A_71 = arith.constant 16 : i32
      %mul3A_72 = arith.muli %scan3A_15, %mul3A_71 : i32
      %add3A_73 = arith.constant 7 : i32
      %add3A_74 = arith.addi %mul3A_72, %add3A_73 : i32
      %mul3A_75 = arith.constant 16 : i32
      %mul3A_76 = arith.muli %add3A_74, %mul3A_75 : i32
      %swap3A_77 = arith.index_cast %mul3A_76 : i32 to index
      %swap3A_78 = tpu.vector_load %arg9[%swap3A_77] {strides = array<i32>} : memref<50176xf32, #tpu.memory_space<vmem>>, vector<16xf32>,
      tpu.vector_store %arg9[%swap3A_77], %broadcast_in_dim3A_1 {strides = array<i32>} : memref<50176xf32, #tpu.memory_space<vmem>>, vector<16xf32>,
      %mul3A_79 = arith.constant 16 : i32
      %mul3A_80 = arith.muli %scan3A_15, %mul3A_79 : i32
      %add3A_81 = arith.constant 8 : i32
      %add3A_82 = arith.addi %mul3A_80, %add3A_81 : i32
      %mul3A_83 = arith.constant 16 : i32
      %mul3A_84 = arith.muli %add3A_82, %mul3A_83 : i32
      %swap3A_85 = arith.index_cast %mul3A_84 : i32 to index
      %swap3A_86 = tpu.vector_load %arg9[%swap3A_85] {strides = array<i32>} : memref<50176xf32, #tpu.memory_space<vmem>>, vector<16xf32>,
      tpu.vector_store %arg9[%swap3A_85], %broadcast_in_dim3A_1 {strides = array<i32>} : memref<50176xf32, #tpu.memory_space<vmem>>, vector<16xf32>,
      %mul3A_87 = arith.constant 16 : i32
      %mul3A_88 = arith.muli %scan3A_15, %mul3A_87 : i32
      %add3A_89 = arith.constant 9 : i32
      %add3A_90 = arith.addi %mul3A_88, %add3A_89 : i32
      %mul3A_91 = arith.constant 16 : i32
      %mul3A_92 = arith.muli %add3A_90, %mul3A_91 : i32
      %swap3A_93 = arith.index_cast %mul3A_92 : i32 to index
      %swap3A_94 = tpu.vector_load %arg9[%swap3A_93] {strides = array<i32>} : memref<50176xf32, #tpu.memory_space<vmem>>, vector<16xf32>,
      tpu.vector_store %arg9[%swap3A_93], %broadcast_in_dim3A_1 {strides = array<i32>} : memref<50176xf32, #tpu.memory_space<vmem>>, vector<16xf32>,
      %mul3A_95 = arith.constant 16 : i32
      %mul3A_96 = arith.muli %scan3A_15, %mul3A_95 : i32
      %add3A_97 = arith.constant 10 : i32
      %add3A_98 = arith.addi %mul3A_96, %add3A_97 : i32
      %mul3A_99 = arith.constant 16 : i32
      %mul3A_100 = arith.muli %add3A_98, %mul3A_99 : i32
      %swap3A_101 = arith.index_cast %mul3A_100 : i32 to index
      %swap3A_102 = tpu.vector_load %arg9[%swap3A_101] {strides = array<i32>} : memref<50176xf32, #tpu.memory_space<vmem>>, vector<16xf32>,
      tpu.vector_store %arg9[%swap3A_101], %broadcast_in_dim3A_1 {strides = array<i32>} : memref<50176xf32, #tpu.memory_space<vmem>>, vector<16xf32>,
      %mul3A_103 = arith.constant 16 : i32
      %mul3A_104 = arith.muli %scan3A_15, %mul3A_103 : i32
      %add3A_105 = arith.constant 11 : i32
      %add3A_106 = arith.addi %mul3A_104, %add3A_105 : i32
      %mul3A_107 = arith.constant 16 : i32
      %mul3A_108 = arith.muli %add3A_106, %mul3A_107 : i32
      %swap3A_109 = arith.index_cast %mul3A_108 : i32 to index
      %swap3A_110 = tpu.vector_load %arg9[%swap3A_109] {strides = array<i32>} : memref<50176xf32, #tpu.memory_space<vmem>>, vector<16xf32>,
      tpu.vector_store %arg9[%swap3A_109], %broadcast_in_dim3A_1 {strides = array<i32>} : memref<50176xf32, #tpu.memory_space<vmem>>, vector<16xf32>,
      %mul3A_111 = arith.constant 16 : i32
      %mul3A_112 = arith.muli %scan3A_15, %mul3A_111 : i32
      %add3A_113 = arith.constant 12 : i32
      %add3A_114 = arith.addi %mul3A_112, %add3A_113 : i32
      %mul3A_115 = arith.constant 16 : i32
      %mul3A_116 = arith.muli %add3A_114, %mul3A_115 : i32
      %swap3A_117 = arith.index_cast %mul3A_116 : i32 to index
      %swap3A_118 = tpu.vector_load %arg9[%swap3A_117] {strides = array<i32>} : memref<50176xf32, #tpu.memory_space<vmem>>, vector<16xf32>,
      tpu.vector_store %arg9[%swap3A_117], %broadcast_in_dim3A_1 {strides = array<i32>} : memref<50176xf32, #tpu.memory_space<vmem>>, vector<16xf32>,
      %mul3A_119 = arith.constant 16 : i32
      %mul3A_120 = arith.muli %scan3A_15, %mul3A_119 : i32
      %add3A_121 = arith.constant 13 : i32
      %add3A_122 = arith.addi %mul3A_120, %add3A_121 : i32
      %mul3A_123 = arith.constant 16 : i32
      %mul3A_124 = arith.muli %add3A_122, %mul3A_123 : i32
      %swap3A_125 = arith.index_cast %mul3A_124 : i32 to index
      %swap3A_126 = tpu.vector_load %arg9[%swap3A_125] {strides = array<i32>} : memref<50176xf32, #tpu.memory_space<vmem>>, vector<16xf32>,
      tpu.vector_store %arg9[%swap3A_125], %broadcast_in_dim3A_1 {strides = array<i32>} : memref<50176xf32, #tpu.memory_space<vmem>>, vector<16xf32>,
      %mul3A_127 = arith.constant 16 : i32
      %mul3A_128 = arith.muli %scan3A_15, %mul3A_127 : i32
      %add3A_129 = arith.constant 14 : i32
      %add3A_130 = arith.addi %mul3A_128, %add3A_129 : i32
      %mul3A_131 = arith.constant 16 : i32
      %mul3A_132 = arith.muli %add3A_130, %mul3A_131 : i32
      %swap3A_133 = arith.index_cast %mul3A_132 : i32 to index
      %swap3A_134 = tpu.vector_load %arg9[%swap3A_133] {strides = array<i32>} : memref<50176xf32, #tpu.memory_space<vmem>>, vector<16xf32>,
      tpu.vector_store %arg9[%swap3A_133], %broadcast_in_dim3A_1 {strides = array<i32>} : memref<50176xf32, #tpu.memory_space<vmem>>, vector<16xf32>,
      %mul3A_135 = arith.constant 16 : i32
      %mul3A_136 = arith.muli %scan3A_15, %mul3A_135 : i32
      %add3A_137 = arith.constant 15 : i32
      %add3A_138 = arith.addi %mul3A_136, %add3A_137 : i32
      %mul3A_139 = arith.constant 16 : i32
      %mul3A_140 = arith.muli %add3A_138, %mul3A_139 : i32
      %swap3A_141 = arith.index_cast %mul3A_140 : i32 to index
      %swap3A_142 = tpu.vector_load %arg9[%swap3A_141] {strides = array<i32>} : memref<50176xf32, #tpu.memory_space<vmem>>, vector<16xf32>,
      tpu.vector_store %arg9[%swap3A_141], %broadcast_in_dim3A_1 {strides = array<i32>} : memref<50176xf32, #tpu.memory_space<vmem>>, vector<16xf32>,
    }
    %scan3A_8 = arith.constant 196 : i32
    %scan3A_9 = arith.constant 0 : i32
    %scan3A_10 = arith.constant 0 : i32
    %scan3A_11 = arith.constant 24 : i32
    %scan3A_12 = arith.addi %scan3A_10, %scan3A_11 : i32
    %scan3A_13 = arith.constant 1 : i32
    scf.for %scan3A_15 = %scan3A_10 to %scan3A_12 step %scan3A_13  : i32 {
      %mul3A_16 = arith.constant 48 : i32
      %mul3A_17 = arith.muli %add3A, %mul3A_16 : i32
      %mul3A_18 = arith.constant 2 : i32
      %mul3A_19 = arith.muli %mul3A_18, %scan3A_15 : i32
      %add3A_20 = arith.addi %mul3A_17, %mul3A_19 : i32
      %add3A_21 = arith.constant 1 : i32
      %add3A_22 = arith.addi %add3A_20, %add3A_21 : i32
      %mul3A_23 = arith.constant 12544 : i32
      %mul3A_24 = arith.muli %add3A_20, %mul3A_23 : i32
      %dma_start3A = arith.constant 0 : i32
      %dma_start3A_25 = tpu.memref_slice %arg5[%dma_start3A] : memref<12560xi32, #tpu.memory_space<vmem>> -> memref<12544xi32, #tpu.memory_space<vmem>>
      %dma_start3A_26 = tpu.memref_slice %arg3[%mul3A_24] : memref<19267584xi32, #tpu.memory_space<hbm>> -> memref<12544xi32, #tpu.memory_space<hbm>>
      %dma_start3A_27 = arith.constant 0 : i32
      %dma_start3A_28 = tpu.memref_slice %arg5[%dma_start3A_27] : memref<12560xi32, #tpu.memory_space<vmem>> -> memref<12544xi32, #tpu.memory_space<vmem>>
      %dma_start3A_29 = tpu.memref_slice %arg3[%mul3A_24] : memref<19267584xi32, #tpu.memory_space<hbm>> -> memref<12544xi32, #tpu.memory_space<hbm>>
      tpu.enqueue_dma source(%dma_start3A_29 : memref<12544xi32, #tpu.memory_space<hbm>>) target(%dma_start3A_28 : memref<12544xi32, #tpu.memory_space<vmem>>) target_semaphore(%arg10 : memref<!tpu.dma_semaphore, #tpu.memory_space<semaphore_mem>>)
      %mul3A_30 = arith.constant 12544 : i32
      %mul3A_31 = arith.muli %add3A_20, %mul3A_30 : i32
      %dma_start3A_32 = tpu.memref_slice %arg2[%mul3A_31] : memref<19267584xf32, #tpu.memory_space<hbm>> -> memref<12544xf32, #tpu.memory_space<hbm>>
      %dma_start3A_33 = tpu.memref_slice %arg2[%mul3A_31] : memref<19267584xf32, #tpu.memory_space<hbm>> -> memref<12544xf32, #tpu.memory_space<hbm>>
      tpu.enqueue_dma source(%dma_start3A_33 : memref<12544xf32, #tpu.memory_space<hbm>>) target(%arg6 : memref<12544xf32, #tpu.memory_space<vmem>>) target_semaphore(%arg10 : memref<!tpu.dma_semaphore, #tpu.memory_space<semaphore_mem>>)
      %mul3A_34 = arith.constant 12544 : i32
      %mul3A_35 = arith.muli %add3A_22, %mul3A_34 : i32
      %dma_start3A_36 = arith.constant 0 : i32
      %dma_start3A_37 = tpu.memref_slice %arg7[%dma_start3A_36] : memref<12560xi32, #tpu.memory_space<vmem>> -> memref<12544xi32, #tpu.memory_space<vmem>>
      %dma_start3A_38 = tpu.memref_slice %arg3[%mul3A_35] : memref<19267584xi32, #tpu.memory_space<hbm>> -> memref<12544xi32, #tpu.memory_space<hbm>>
      %dma_start3A_39 = arith.constant 0 : i32
      %dma_start3A_40 = tpu.memref_slice %arg7[%dma_start3A_39] : memref<12560xi32, #tpu.memory_space<vmem>> -> memref<12544xi32, #tpu.memory_space<vmem>>
      %dma_start3A_41 = tpu.memref_slice %arg3[%mul3A_35] : memref<19267584xi32, #tpu.memory_space<hbm>> -> memref<12544xi32, #tpu.memory_space<hbm>>
      tpu.enqueue_dma source(%dma_start3A_41 : memref<12544xi32, #tpu.memory_space<hbm>>) target(%dma_start3A_40 : memref<12544xi32, #tpu.memory_space<vmem>>) target_semaphore(%arg11 : memref<!tpu.dma_semaphore, #tpu.memory_space<semaphore_mem>>)
      %mul3A_42 = arith.constant 12544 : i32
      %mul3A_43 = arith.muli %add3A_22, %mul3A_42 : i32
      %dma_start3A_44 = tpu.memref_slice %arg2[%mul3A_43] : memref<19267584xf32, #tpu.memory_space<hbm>> -> memref<12544xf32, #tpu.memory_space<hbm>>
      %dma_start3A_45 = tpu.memref_slice %arg2[%mul3A_43] : memref<19267584xf32, #tpu.memory_space<hbm>> -> memref<12544xf32, #tpu.memory_space<hbm>>
      tpu.enqueue_dma source(%dma_start3A_45 : memref<12544xf32, #tpu.memory_space<hbm>>) target(%arg8 : memref<12544xf32, #tpu.memory_space<vmem>>) target_semaphore(%arg11 : memref<!tpu.dma_semaphore, #tpu.memory_space<semaphore_mem>>)
      %dma_wait3A = arith.constant 0 : i32
      %dma_wait3A_46 = tpu.memref_slice %arg5[%dma_wait3A] : memref<12560xi32, #tpu.memory_space<vmem>> -> memref<12544xi32, #tpu.memory_space<vmem>>
      %dma_wait3A_47 = tpu.memref_slice %arg3[%mul3A_24] : memref<19267584xi32, #tpu.memory_space<hbm>> -> memref<12544xi32, #tpu.memory_space<hbm>>
      %dma_wait3A_48 = arith.constant 0 : i32
      %dma_wait3A_49 = tpu.memref_slice %arg5[%dma_wait3A_48] : memref<12560xi32, #tpu.memory_space<vmem>> -> memref<12544xi32, #tpu.memory_space<vmem>>
      %dma_wait3A_50 = tpu.memref_slice %arg3[%mul3A_24] : memref<19267584xi32, #tpu.memory_space<hbm>> -> memref<12544xi32, #tpu.memory_space<hbm>>
      tpu.wait_dma2 semaphore(%arg10 : memref<!tpu.dma_semaphore, #tpu.memory_space<semaphore_mem>>) src(%dma_wait3A_50 : memref<12544xi32, #tpu.memory_space<hbm>>) dst(%dma_wait3A_49 : memref<12544xi32, #tpu.memory_space<vmem>>)
      %dma_wait3A_51 = tpu.memref_slice %arg2[%mul3A_31] : memref<19267584xf32, #tpu.memory_space<hbm>> -> memref<12544xf32, #tpu.memory_space<hbm>>
      %dma_wait3A_52 = tpu.memref_slice %arg2[%mul3A_31] : memref<19267584xf32, #tpu.memory_space<hbm>> -> memref<12544xf32, #tpu.memory_space<hbm>>
      tpu.wait_dma2 semaphore(%arg10 : memref<!tpu.dma_semaphore, #tpu.memory_space<semaphore_mem>>) src(%dma_wait3A_52 : memref<12544xf32, #tpu.memory_space<hbm>>) dst(%arg6 : memref<12544xf32, #tpu.memory_space<vmem>>)
      %swap3A = arith.constant 12544 : index
      %swap3A_53 = tpu.vector_load %arg5[%swap3A] {strides = array<i32>} : memref<12560xi32, #tpu.memory_space<vmem>>, vector<16xi32>,
      tpu.vector_store %arg5[%swap3A], %broadcast_in_dim3A_3 {strides = array<i32>} : memref<12560xi32, #tpu.memory_space<vmem>>, vector<16xi32>,
      %mul3A_54 = arith.constant 50176 : i32
      %mul3A_55 = arith.muli %add3A_20, %mul3A_54 : i32
      %broadcast_in_dim3A_56 = vector.broadcast %mul3A_55 : i32 to vector<16xi32>
      %scan3A_57 = arith.constant 0 : i32
      %scan3A_58 = arith.constant 0 : i32
      %scan3A_59 = arith.constant 49 : i32
      %scan3A_60 = arith.addi %scan3A_58, %scan3A_59 : i32
      %scan3A_61 = arith.constant 1 : i32
      scf.for %scan3A_98 = %scan3A_58 to %scan3A_60 step %scan3A_61  : i32 {
        %mul3A_99 = arith.constant 16 : i32
        %mul3A_100 = arith.muli %scan3A_98, %mul3A_99 : i32
        %add3A_101 = arith.constant 0 : i32
        %add3A_102 = arith.addi %mul3A_100, %add3A_101 : i32
        %mul3A_103 = arith.constant 16 : i32
        %mul3A_104 = arith.muli %add3A_102, %mul3A_103 : i32
        %get3A = arith.index_cast %mul3A_104 : i32 to index
        %get3A_105 = tpu.vector_load %arg5[%get3A] {strides = array<i32>} : memref<12560xi32, #tpu.memory_space<vmem>>, vector<16xi32>,
        %add3A_106 = arith.constant 1 : i32
        %add3A_107 = arith.addi %mul3A_104, %add3A_106 : i32
        %get3A_108 = arith.index_cast %add3A_107 : i32 to index
        %get3A_109 = tpu.vector_load %arg5[%get3A_108] {strides = array<i32>} : memref<12560xi32, #tpu.memory_space<vmem>>, vector<16xi32>,
        %ne3A = arith.cmpi ne, %get3A_105, %get3A_109 : vector<16xi32>
        %get3A_110 = arith.index_cast %mul3A_104 : i32 to index
        %get3A_111 = tpu.vector_load %arg6[%get3A_110] {strides = array<i32>} : memref<12544xf32, #tpu.memory_space<vmem>>, vector<16xf32>,
        %sub3A = arith.subi %get3A_105, %broadcast_in_dim3A_56 : vector<16xi32>
        tpu.vector_store_idx %arg9[%sub3A], %get3A_111 masked %ne3A : memref<50176xf32, #tpu.memory_space<vmem>>[vector<16xi32>], vector<16xf32>, vector<16xi1>
        %mul3A_112 = arith.constant 16 : i32
        %mul3A_113 = arith.muli %scan3A_98, %mul3A_112 : i32
        %add3A_114 = arith.constant 1 : i32
        %add3A_115 = arith.addi %mul3A_113, %add3A_114 : i32
        %mul3A_116 = arith.constant 16 : i32
        %mul3A_117 = arith.muli %add3A_115, %mul3A_116 : i32
        %get3A_118 = arith.index_cast %mul3A_117 : i32 to index
        %get3A_119 = tpu.vector_load %arg5[%get3A_118] {strides = array<i32>} : memref<12560xi32, #tpu.memory_space<vmem>>, vector<16xi32>,
        %add3A_120 = arith.constant 1 : i32
        %add3A_121 = arith.addi %mul3A_117, %add3A_120 : i32
        %get3A_122 = arith.index_cast %add3A_121 : i32 to index
        %get3A_123 = tpu.vector_load %arg5[%get3A_122] {strides = array<i32>} : memref<12560xi32, #tpu.memory_space<vmem>>, vector<16xi32>,
        %ne3A_124 = arith.cmpi ne, %get3A_119, %get3A_123 : vector<16xi32>
        %get3A_125 = arith.index_cast %mul3A_117 : i32 to index
        %get3A_126 = tpu.vector_load %arg6[%get3A_125] {strides = array<i32>} : memref<12544xf32, #tpu.memory_space<vmem>>, vector<16xf32>,
        %sub3A_127 = arith.subi %get3A_119, %broadcast_in_dim3A_56 : vector<16xi32>
        tpu.vector_store_idx %arg9[%sub3A_127], %get3A_126 masked %ne3A_124 : memref<50176xf32, #tpu.memory_space<vmem>>[vector<16xi32>], vector<16xf32>, vector<16xi1>
        %mul3A_128 = arith.constant 16 : i32
        %mul3A_129 = arith.muli %scan3A_98, %mul3A_128 : i32
        %add3A_130 = arith.constant 2 : i32
        %add3A_131 = arith.addi %mul3A_129, %add3A_130 : i32
        %mul3A_132 = arith.constant 16 : i32
        %mul3A_133 = arith.muli %add3A_131, %mul3A_132 : i32
        %get3A_134 = arith.index_cast %mul3A_133 : i32 to index
        %get3A_135 = tpu.vector_load %arg5[%get3A_134] {strides = array<i32>} : memref<12560xi32, #tpu.memory_space<vmem>>, vector<16xi32>,
        %add3A_136 = arith.constant 1 : i32
        %add3A_137 = arith.addi %mul3A_133, %add3A_136 : i32
        %get3A_138 = arith.index_cast %add3A_137 : i32 to index
        %get3A_139 = tpu.vector_load %arg5[%get3A_138] {strides = array<i32>} : memref<12560xi32, #tpu.memory_space<vmem>>, vector<16xi32>,
        %ne3A_140 = arith.cmpi ne, %get3A_135, %get3A_139 : vector<16xi32>
        %get3A_141 = arith.index_cast %mul3A_133 : i32 to index
        %get3A_142 = tpu.vector_load %arg6[%get3A_141] {strides = array<i32>} : memref<12544xf32, #tpu.memory_space<vmem>>, vector<16xf32>,
        %sub3A_143 = arith.subi %get3A_135, %broadcast_in_dim3A_56 : vector<16xi32>
        tpu.vector_store_idx %arg9[%sub3A_143], %get3A_142 masked %ne3A_140 : memref<50176xf32, #tpu.memory_space<vmem>>[vector<16xi32>], vector<16xf32>, vector<16xi1>
        %mul3A_144 = arith.constant 16 : i32
        %mul3A_145 = arith.muli %scan3A_98, %mul3A_144 : i32
        %add3A_146 = arith.constant 3 : i32
        %add3A_147 = arith.addi %mul3A_145, %add3A_146 : i32
        %mul3A_148 = arith.constant 16 : i32
        %mul3A_149 = arith.muli %add3A_147, %mul3A_148 : i32
        %get3A_150 = arith.index_cast %mul3A_149 : i32 to index
        %get3A_151 = tpu.vector_load %arg5[%get3A_150] {strides = array<i32>} : memref<12560xi32, #tpu.memory_space<vmem>>, vector<16xi32>,
        %add3A_152 = arith.constant 1 : i32
        %add3A_153 = arith.addi %mul3A_149, %add3A_152 : i32
        %get3A_154 = arith.index_cast %add3A_153 : i32 to index
        %get3A_155 = tpu.vector_load %arg5[%get3A_154] {strides = array<i32>} : memref<12560xi32, #tpu.memory_space<vmem>>, vector<16xi32>,
        %ne3A_156 = arith.cmpi ne, %get3A_151, %get3A_155 : vector<16xi32>
        %get3A_157 = arith.index_cast %mul3A_149 : i32 to index
        %get3A_158 = tpu.vector_load %arg6[%get3A_157] {strides = array<i32>} : memref<12544xf32, #tpu.memory_space<vmem>>, vector<16xf32>,
        %sub3A_159 = arith.subi %get3A_151, %broadcast_in_dim3A_56 : vector<16xi32>
        tpu.vector_store_idx %arg9[%sub3A_159], %get3A_158 masked %ne3A_156 : memref<50176xf32, #tpu.memory_space<vmem>>[vector<16xi32>], vector<16xf32>, vector<16xi1>
        %mul3A_160 = arith.constant 16 : i32
        %mul3A_161 = arith.muli %scan3A_98, %mul3A_160 : i32
        %add3A_162 = arith.constant 4 : i32
        %add3A_163 = arith.addi %mul3A_161, %add3A_162 : i32
        %mul3A_164 = arith.constant 16 : i32
        %mul3A_165 = arith.muli %add3A_163, %mul3A_164 : i32
        %get3A_166 = arith.index_cast %mul3A_165 : i32 to index
        %get3A_167 = tpu.vector_load %arg5[%get3A_166] {strides = array<i32>} : memref<12560xi32, #tpu.memory_space<vmem>>, vector<16xi32>,
        %add3A_168 = arith.constant 1 : i32
        %add3A_169 = arith.addi %mul3A_165, %add3A_168 : i32
        %get3A_170 = arith.index_cast %add3A_169 : i32 to index
        %get3A_171 = tpu.vector_load %arg5[%get3A_170] {strides = array<i32>} : memref<12560xi32, #tpu.memory_space<vmem>>, vector<16xi32>,
        %ne3A_172 = arith.cmpi ne, %get3A_167, %get3A_171 : vector<16xi32>
        %get3A_173 = arith.index_cast %mul3A_165 : i32 to index
        %get3A_174 = tpu.vector_load %arg6[%get3A_173] {strides = array<i32>} : memref<12544xf32, #tpu.memory_space<vmem>>, vector<16xf32>,
        %sub3A_175 = arith.subi %get3A_167, %broadcast_in_dim3A_56 : vector<16xi32>
        tpu.vector_store_idx %arg9[%sub3A_175], %get3A_174 masked %ne3A_172 : memref<50176xf32, #tpu.memory_space<vmem>>[vector<16xi32>], vector<16xf32>, vector<16xi1>
        %mul3A_176 = arith.constant 16 : i32
        %mul3A_177 = arith.muli %scan3A_98, %mul3A_176 : i32
        %add3A_178 = arith.constant 5 : i32
        %add3A_179 = arith.addi %mul3A_177, %add3A_178 : i32
        %mul3A_180 = arith.constant 16 : i32
        %mul3A_181 = arith.muli %add3A_179, %mul3A_180 : i32
        %get3A_182 = arith.index_cast %mul3A_181 : i32 to index
        %get3A_183 = tpu.vector_load %arg5[%get3A_182] {strides = array<i32>} : memref<12560xi32, #tpu.memory_space<vmem>>, vector<16xi32>,
        %add3A_184 = arith.constant 1 : i32
        %add3A_185 = arith.addi %mul3A_181, %add3A_184 : i32
        %get3A_186 = arith.index_cast %add3A_185 : i32 to index
        %get3A_187 = tpu.vector_load %arg5[%get3A_186] {strides = array<i32>} : memref<12560xi32, #tpu.memory_space<vmem>>, vector<16xi32>,
        %ne3A_188 = arith.cmpi ne, %get3A_183, %get3A_187 : vector<16xi32>
        %get3A_189 = arith.index_cast %mul3A_181 : i32 to index
        %get3A_190 = tpu.vector_load %arg6[%get3A_189] {strides = array<i32>} : memref<12544xf32, #tpu.memory_space<vmem>>, vector<16xf32>,
        %sub3A_191 = arith.subi %get3A_183, %broadcast_in_dim3A_56 : vector<16xi32>
        tpu.vector_store_idx %arg9[%sub3A_191], %get3A_190 masked %ne3A_188 : memref<50176xf32, #tpu.memory_space<vmem>>[vector<16xi32>], vector<16xf32>, vector<16xi1>
        %mul3A_192 = arith.constant 16 : i32
        %mul3A_193 = arith.muli %scan3A_98, %mul3A_192 : i32
        %add3A_194 = arith.constant 6 : i32
        %add3A_195 = arith.addi %mul3A_193, %add3A_194 : i32
        %mul3A_196 = arith.constant 16 : i32
        %mul3A_197 = arith.muli %add3A_195, %mul3A_196 : i32
        %get3A_198 = arith.index_cast %mul3A_197 : i32 to index
        %get3A_199 = tpu.vector_load %arg5[%get3A_198] {strides = array<i32>} : memref<12560xi32, #tpu.memory_space<vmem>>, vector<16xi32>,
        %add3A_200 = arith.constant 1 : i32
        %add3A_201 = arith.addi %mul3A_197, %add3A_200 : i32
        %get3A_202 = arith.index_cast %add3A_201 : i32 to index
        %get3A_203 = tpu.vector_load %arg5[%get3A_202] {strides = array<i32>} : memref<12560xi32, #tpu.memory_space<vmem>>, vector<16xi32>,
        %ne3A_204 = arith.cmpi ne, %get3A_199, %get3A_203 : vector<16xi32>
        %get3A_205 = arith.index_cast %mul3A_197 : i32 to index
        %get3A_206 = tpu.vector_load %arg6[%get3A_205] {strides = array<i32>} : memref<12544xf32, #tpu.memory_space<vmem>>, vector<16xf32>,
        %sub3A_207 = arith.subi %get3A_199, %broadcast_in_dim3A_56 : vector<16xi32>
        tpu.vector_store_idx %arg9[%sub3A_207], %get3A_206 masked %ne3A_204 : memref<50176xf32, #tpu.memory_space<vmem>>[vector<16xi32>], vector<16xf32>, vector<16xi1>
        %mul3A_208 = arith.constant 16 : i32
        %mul3A_209 = arith.muli %scan3A_98, %mul3A_208 : i32
        %add3A_210 = arith.constant 7 : i32
        %add3A_211 = arith.addi %mul3A_209, %add3A_210 : i32
        %mul3A_212 = arith.constant 16 : i32
        %mul3A_213 = arith.muli %add3A_211, %mul3A_212 : i32
        %get3A_214 = arith.index_cast %mul3A_213 : i32 to index
        %get3A_215 = tpu.vector_load %arg5[%get3A_214] {strides = array<i32>} : memref<12560xi32, #tpu.memory_space<vmem>>, vector<16xi32>,
        %add3A_216 = arith.constant 1 : i32
        %add3A_217 = arith.addi %mul3A_213, %add3A_216 : i32
        %get3A_218 = arith.index_cast %add3A_217 : i32 to index
        %get3A_219 = tpu.vector_load %arg5[%get3A_218] {strides = array<i32>} : memref<12560xi32, #tpu.memory_space<vmem>>, vector<16xi32>,
        %ne3A_220 = arith.cmpi ne, %get3A_215, %get3A_219 : vector<16xi32>
        %get3A_221 = arith.index_cast %mul3A_213 : i32 to index
        %get3A_222 = tpu.vector_load %arg6[%get3A_221] {strides = array<i32>} : memref<12544xf32, #tpu.memory_space<vmem>>, vector<16xf32>,
        %sub3A_223 = arith.subi %get3A_215, %broadcast_in_dim3A_56 : vector<16xi32>
        tpu.vector_store_idx %arg9[%sub3A_223], %get3A_222 masked %ne3A_220 : memref<50176xf32, #tpu.memory_space<vmem>>[vector<16xi32>], vector<16xf32>, vector<16xi1>
        %mul3A_224 = arith.constant 16 : i32
        %mul3A_225 = arith.muli %scan3A_98, %mul3A_224 : i32
        %add3A_226 = arith.constant 8 : i32
        %add3A_227 = arith.addi %mul3A_225, %add3A_226 : i32
        %mul3A_228 = arith.constant 16 : i32
        %mul3A_229 = arith.muli %add3A_227, %mul3A_228 : i32
        %get3A_230 = arith.index_cast %mul3A_229 : i32 to index
        %get3A_231 = tpu.vector_load %arg5[%get3A_230] {strides = array<i32>} : memref<12560xi32, #tpu.memory_space<vmem>>, vector<16xi32>,
        %add3A_232 = arith.constant 1 : i32
        %add3A_233 = arith.addi %mul3A_229, %add3A_232 : i32
        %get3A_234 = arith.index_cast %add3A_233 : i32 to index
        %get3A_235 = tpu.vector_load %arg5[%get3A_234] {strides = array<i32>} : memref<12560xi32, #tpu.memory_space<vmem>>, vector<16xi32>,
        %ne3A_236 = arith.cmpi ne, %get3A_231, %get3A_235 : vector<16xi32>
        %get3A_237 = arith.index_cast %mul3A_229 : i32 to index
        %get3A_238 = tpu.vector_load %arg6[%get3A_237] {strides = array<i32>} : memref<12544xf32, #tpu.memory_space<vmem>>, vector<16xf32>,
        %sub3A_239 = arith.subi %get3A_231, %broadcast_in_dim3A_56 : vector<16xi32>
        tpu.vector_store_idx %arg9[%sub3A_239], %get3A_238 masked %ne3A_236 : memref<50176xf32, #tpu.memory_space<vmem>>[vector<16xi32>], vector<16xf32>, vector<16xi1>
        %mul3A_240 = arith.constant 16 : i32
        %mul3A_241 = arith.muli %scan3A_98, %mul3A_240 : i32
        %add3A_242 = arith.constant 9 : i32
        %add3A_243 = arith.addi %mul3A_241, %add3A_242 : i32
        %mul3A_244 = arith.constant 16 : i32
        %mul3A_245 = arith.muli %add3A_243, %mul3A_244 : i32
        %get3A_246 = arith.index_cast %mul3A_245 : i32 to index
        %get3A_247 = tpu.vector_load %arg5[%get3A_246] {strides = array<i32>} : memref<12560xi32, #tpu.memory_space<vmem>>, vector<16xi32>,
        %add3A_248 = arith.constant 1 : i32
        %add3A_249 = arith.addi %mul3A_245, %add3A_248 : i32
        %get3A_250 = arith.index_cast %add3A_249 : i32 to index
        %get3A_251 = tpu.vector_load %arg5[%get3A_250] {strides = array<i32>} : memref<12560xi32, #tpu.memory_space<vmem>>, vector<16xi32>,
        %ne3A_252 = arith.cmpi ne, %get3A_247, %get3A_251 : vector<16xi32>
        %get3A_253 = arith.index_cast %mul3A_245 : i32 to index
        %get3A_254 = tpu.vector_load %arg6[%get3A_253] {strides = array<i32>} : memref<12544xf32, #tpu.memory_space<vmem>>, vector<16xf32>,
        %sub3A_255 = arith.subi %get3A_247, %broadcast_in_dim3A_56 : vector<16xi32>
        tpu.vector_store_idx %arg9[%sub3A_255], %get3A_254 masked %ne3A_252 : memref<50176xf32, #tpu.memory_space<vmem>>[vector<16xi32>], vector<16xf32>, vector<16xi1>
        %mul3A_256 = arith.constant 16 : i32
        %mul3A_257 = arith.muli %scan3A_98, %mul3A_256 : i32
        %add3A_258 = arith.constant 10 : i32
        %add3A_259 = arith.addi %mul3A_257, %add3A_258 : i32
        %mul3A_260 = arith.constant 16 : i32
        %mul3A_261 = arith.muli %add3A_259, %mul3A_260 : i32
        %get3A_262 = arith.index_cast %mul3A_261 : i32 to index
        %get3A_263 = tpu.vector_load %arg5[%get3A_262] {strides = array<i32>} : memref<12560xi32, #tpu.memory_space<vmem>>, vector<16xi32>,
        %add3A_264 = arith.constant 1 : i32
        %add3A_265 = arith.addi %mul3A_261, %add3A_264 : i32
        %get3A_266 = arith.index_cast %add3A_265 : i32 to index
        %get3A_267 = tpu.vector_load %arg5[%get3A_266] {strides = array<i32>} : memref<12560xi32, #tpu.memory_space<vmem>>, vector<16xi32>,
        %ne3A_268 = arith.cmpi ne, %get3A_263, %get3A_267 : vector<16xi32>
        %get3A_269 = arith.index_cast %mul3A_261 : i32 to index
        %get3A_270 = tpu.vector_load %arg6[%get3A_269] {strides = array<i32>} : memref<12544xf32, #tpu.memory_space<vmem>>, vector<16xf32>,
        %sub3A_271 = arith.subi %get3A_263, %broadcast_in_dim3A_56 : vector<16xi32>
        tpu.vector_store_idx %arg9[%sub3A_271], %get3A_270 masked %ne3A_268 : memref<50176xf32, #tpu.memory_space<vmem>>[vector<16xi32>], vector<16xf32>, vector<16xi1>
        %mul3A_272 = arith.constant 16 : i32
        %mul3A_273 = arith.muli %scan3A_98, %mul3A_272 : i32
        %add3A_274 = arith.constant 11 : i32
        %add3A_275 = arith.addi %mul3A_273, %add3A_274 : i32
        %mul3A_276 = arith.constant 16 : i32
        %mul3A_277 = arith.muli %add3A_275, %mul3A_276 : i32
        %get3A_278 = arith.index_cast %mul3A_277 : i32 to index
        %get3A_279 = tpu.vector_load %arg5[%get3A_278] {strides = array<i32>} : memref<12560xi32, #tpu.memory_space<vmem>>, vector<16xi32>,
        %add3A_280 = arith.constant 1 : i32
        %add3A_281 = arith.addi %mul3A_277, %add3A_280 : i32
        %get3A_282 = arith.index_cast %add3A_281 : i32 to index
        %get3A_283 = tpu.vector_load %arg5[%get3A_282] {strides = array<i32>} : memref<12560xi32, #tpu.memory_space<vmem>>, vector<16xi32>,
        %ne3A_284 = arith.cmpi ne, %get3A_279, %get3A_283 : vector<16xi32>
        %get3A_285 = arith.index_cast %mul3A_277 : i32 to index
        %get3A_286 = tpu.vector_load %arg6[%get3A_285] {strides = array<i32>} : memref<12544xf32, #tpu.memory_space<vmem>>, vector<16xf32>,
        %sub3A_287 = arith.subi %get3A_279, %broadcast_in_dim3A_56 : vector<16xi32>
        tpu.vector_store_idx %arg9[%sub3A_287], %get3A_286 masked %ne3A_284 : memref<50176xf32, #tpu.memory_space<vmem>>[vector<16xi32>], vector<16xf32>, vector<16xi1>
        %mul3A_288 = arith.constant 16 : i32
        %mul3A_289 = arith.muli %scan3A_98, %mul3A_288 : i32
        %add3A_290 = arith.constant 12 : i32
        %add3A_291 = arith.addi %mul3A_289, %add3A_290 : i32
        %mul3A_292 = arith.constant 16 : i32
        %mul3A_293 = arith.muli %add3A_291, %mul3A_292 : i32
        %get3A_294 = arith.index_cast %mul3A_293 : i32 to index
        %get3A_295 = tpu.vector_load %arg5[%get3A_294] {strides = array<i32>} : memref<12560xi32, #tpu.memory_space<vmem>>, vector<16xi32>,
        %add3A_296 = arith.constant 1 : i32
        %add3A_297 = arith.addi %mul3A_293, %add3A_296 : i32
        %get3A_298 = arith.index_cast %add3A_297 : i32 to index
        %get3A_299 = tpu.vector_load %arg5[%get3A_298] {strides = array<i32>} : memref<12560xi32, #tpu.memory_space<vmem>>, vector<16xi32>,
        %ne3A_300 = arith.cmpi ne, %get3A_295, %get3A_299 : vector<16xi32>
        %get3A_301 = arith.index_cast %mul3A_293 : i32 to index
        %get3A_302 = tpu.vector_load %arg6[%get3A_301] {strides = array<i32>} : memref<12544xf32, #tpu.memory_space<vmem>>, vector<16xf32>,
        %sub3A_303 = arith.subi %get3A_295, %broadcast_in_dim3A_56 : vector<16xi32>
        tpu.vector_store_idx %arg9[%sub3A_303], %get3A_302 masked %ne3A_300 : memref<50176xf32, #tpu.memory_space<vmem>>[vector<16xi32>], vector<16xf32>, vector<16xi1>
        %mul3A_304 = arith.constant 16 : i32
        %mul3A_305 = arith.muli %scan3A_98, %mul3A_304 : i32
        %add3A_306 = arith.constant 13 : i32
        %add3A_307 = arith.addi %mul3A_305, %add3A_306 : i32
        %mul3A_308 = arith.constant 16 : i32
        %mul3A_309 = arith.muli %add3A_307, %mul3A_308 : i32
        %get3A_310 = arith.index_cast %mul3A_309 : i32 to index
        %get3A_311 = tpu.vector_load %arg5[%get3A_310] {strides = array<i32>} : memref<12560xi32, #tpu.memory_space<vmem>>, vector<16xi32>,
        %add3A_312 = arith.constant 1 : i32
        %add3A_313 = arith.addi %mul3A_309, %add3A_312 : i32
        %get3A_314 = arith.index_cast %add3A_313 : i32 to index
        %get3A_315 = tpu.vector_load %arg5[%get3A_314] {strides = array<i32>} : memref<12560xi32, #tpu.memory_space<vmem>>, vector<16xi32>,
        %ne3A_316 = arith.cmpi ne, %get3A_311, %get3A_315 : vector<16xi32>
        %get3A_317 = arith.index_cast %mul3A_309 : i32 to index
        %get3A_318 = tpu.vector_load %arg6[%get3A_317] {strides = array<i32>} : memref<12544xf32, #tpu.memory_space<vmem>>, vector<16xf32>,
        %sub3A_319 = arith.subi %get3A_311, %broadcast_in_dim3A_56 : vector<16xi32>
        tpu.vector_store_idx %arg9[%sub3A_319], %get3A_318 masked %ne3A_316 : memref<50176xf32, #tpu.memory_space<vmem>>[vector<16xi32>], vector<16xf32>, vector<16xi1>
        %mul3A_320 = arith.constant 16 : i32
        %mul3A_321 = arith.muli %scan3A_98, %mul3A_320 : i32
        %add3A_322 = arith.constant 14 : i32
        %add3A_323 = arith.addi %mul3A_321, %add3A_322 : i32
        %mul3A_324 = arith.constant 16 : i32
        %mul3A_325 = arith.muli %add3A_323, %mul3A_324 : i32
        %get3A_326 = arith.index_cast %mul3A_325 : i32 to index
        %get3A_327 = tpu.vector_load %arg5[%get3A_326] {strides = array<i32>} : memref<12560xi32, #tpu.memory_space<vmem>>, vector<16xi32>,
        %add3A_328 = arith.constant 1 : i32
        %add3A_329 = arith.addi %mul3A_325, %add3A_328 : i32
        %get3A_330 = arith.index_cast %add3A_329 : i32 to index
        %get3A_331 = tpu.vector_load %arg5[%get3A_330] {strides = array<i32>} : memref<12560xi32, #tpu.memory_space<vmem>>, vector<16xi32>,
        %ne3A_332 = arith.cmpi ne, %get3A_327, %get3A_331 : vector<16xi32>
        %get3A_333 = arith.index_cast %mul3A_325 : i32 to index
        %get3A_334 = tpu.vector_load %arg6[%get3A_333] {strides = array<i32>} : memref<12544xf32, #tpu.memory_space<vmem>>, vector<16xf32>,
        %sub3A_335 = arith.subi %get3A_327, %broadcast_in_dim3A_56 : vector<16xi32>
        tpu.vector_store_idx %arg9[%sub3A_335], %get3A_334 masked %ne3A_332 : memref<50176xf32, #tpu.memory_space<vmem>>[vector<16xi32>], vector<16xf32>, vector<16xi1>
        %mul3A_336 = arith.constant 16 : i32
        %mul3A_337 = arith.muli %scan3A_98, %mul3A_336 : i32
        %add3A_338 = arith.constant 15 : i32
        %add3A_339 = arith.addi %mul3A_337, %add3A_338 : i32
        %mul3A_340 = arith.constant 16 : i32
        %mul3A_341 = arith.muli %add3A_339, %mul3A_340 : i32
        %get3A_342 = arith.index_cast %mul3A_341 : i32 to index
        %get3A_343 = tpu.vector_load %arg5[%get3A_342] {strides = array<i32>} : memref<12560xi32, #tpu.memory_space<vmem>>, vector<16xi32>,
        %add3A_344 = arith.constant 1 : i32
        %add3A_345 = arith.addi %mul3A_341, %add3A_344 : i32
        %get3A_346 = arith.index_cast %add3A_345 : i32 to index
        %get3A_347 = tpu.vector_load %arg5[%get3A_346] {strides = array<i32>} : memref<12560xi32, #tpu.memory_space<vmem>>, vector<16xi32>,
        %ne3A_348 = arith.cmpi ne, %get3A_343, %get3A_347 : vector<16xi32>
        %get3A_349 = arith.index_cast %mul3A_341 : i32 to index
        %get3A_350 = tpu.vector_load %arg6[%get3A_349] {strides = array<i32>} : memref<12544xf32, #tpu.memory_space<vmem>>, vector<16xf32>,
        %sub3A_351 = arith.subi %get3A_343, %broadcast_in_dim3A_56 : vector<16xi32>
        tpu.vector_store_idx %arg9[%sub3A_351], %get3A_350 masked %ne3A_348 : memref<50176xf32, #tpu.memory_space<vmem>>[vector<16xi32>], vector<16xf32>, vector<16xi1>
      }
      %scan3A_62 = arith.constant 49 : i32
      %mul3A_63 = arith.constant 50176 : i32
      %mul3A_64 = arith.muli %add3A_20, %mul3A_63 : i32
      "tpu.region"() ({
        %run_scoped3A = tpu.sem_alloc : memref<!tpu.dma_semaphore, #tpu.memory_space<semaphore_mem>>
        %dma_start3A_98 = tpu.memref_slice %arg4[%mul3A_64] : memref<77070336xf32, #tpu.memory_space<hbm>> -> memref<50176xf32, #tpu.memory_space<hbm>>
        %dma_start3A_99 = tpu.memref_slice %arg4[%mul3A_64] : memref<77070336xf32, #tpu.memory_space<hbm>> -> memref<50176xf32, #tpu.memory_space<hbm>>
        tpu.enqueue_dma source(%arg9 : memref<50176xf32, #tpu.memory_space<vmem>>) target(%dma_start3A_99 : memref<50176xf32, #tpu.memory_space<hbm>>) target_semaphore(%run_scoped3A : memref<!tpu.dma_semaphore, #tpu.memory_space<semaphore_mem>>)
        %dma_wait3A_100 = tpu.memref_slice %arg4[%mul3A_64] : memref<77070336xf32, #tpu.memory_space<hbm>> -> memref<50176xf32, #tpu.memory_space<hbm>>
        %dma_wait3A_101 = tpu.memref_slice %arg4[%mul3A_64] : memref<77070336xf32, #tpu.memory_space<hbm>> -> memref<50176xf32, #tpu.memory_space<hbm>>
        tpu.wait_dma2 semaphore(%run_scoped3A : memref<!tpu.dma_semaphore, #tpu.memory_space<semaphore_mem>>) src(%arg9 : memref<50176xf32, #tpu.memory_space<vmem>>) dst(%dma_wait3A_101 : memref<50176xf32, #tpu.memory_space<hbm>>)
        tpu.yield
      }) : () -> ()
      %scan3A_65 = arith.constant 0 : i32
      %scan3A_66 = arith.constant 0 : i32
      %scan3A_67 = arith.constant 49 : i32
      %scan3A_68 = arith.addi %scan3A_66, %scan3A_67 : i32
      %scan3A_69 = arith.constant 1 : i32
      scf.for %scan3A_98 = %scan3A_66 to %scan3A_68 step %scan3A_69  : i32 {
        %mul3A_99 = arith.constant 16 : i32
        %mul3A_100 = arith.muli %scan3A_98, %mul3A_99 : i32
        %add3A_101 = arith.constant 0 : i32
        %add3A_102 = arith.addi %mul3A_100, %add3A_101 : i32
        %mul3A_103 = arith.constant 16 : i32
        %mul3A_104 = arith.muli %add3A_102, %mul3A_103 : i32
        %get3A = arith.index_cast %mul3A_104 : i32 to index
        %get3A_105 = tpu.vector_load %arg5[%get3A] {strides = array<i32>} : memref<12560xi32, #tpu.memory_space<vmem>>, vector<16xi32>,
        %sub3A = arith.subi %get3A_105, %broadcast_in_dim3A_56 : vector<16xi32>
        tpu.vector_store_idx %arg9[%sub3A], %broadcast_in_dim3A_1 : memref<50176xf32, #tpu.memory_space<vmem>>[vector<16xi32>], vector<16xf32>,
        %mul3A_106 = arith.constant 16 : i32
        %mul3A_107 = arith.muli %scan3A_98, %mul3A_106 : i32
        %add3A_108 = arith.constant 1 : i32
        %add3A_109 = arith.addi %mul3A_107, %add3A_108 : i32
        %mul3A_110 = arith.constant 16 : i32
        %mul3A_111 = arith.muli %add3A_109, %mul3A_110 : i32
        %get3A_112 = arith.index_cast %mul3A_111 : i32 to index
        %get3A_113 = tpu.vector_load %arg5[%get3A_112] {strides = array<i32>} : memref<12560xi32, #tpu.memory_space<vmem>>, vector<16xi32>,
        %sub3A_114 = arith.subi %get3A_113, %broadcast_in_dim3A_56 : vector<16xi32>
        tpu.vector_store_idx %arg9[%sub3A_114], %broadcast_in_dim3A_1 : memref<50176xf32, #tpu.memory_space<vmem>>[vector<16xi32>], vector<16xf32>,
        %mul3A_115 = arith.constant 16 : i32
        %mul3A_116 = arith.muli %scan3A_98, %mul3A_115 : i32
        %add3A_117 = arith.constant 2 : i32
        %add3A_118 = arith.addi %mul3A_116, %add3A_117 : i32
        %mul3A_119 = arith.constant 16 : i32
        %mul3A_120 = arith.muli %add3A_118, %mul3A_119 : i32
        %get3A_121 = arith.index_cast %mul3A_120 : i32 to index
        %get3A_122 = tpu.vector_load %arg5[%get3A_121] {strides = array<i32>} : memref<12560xi32, #tpu.memory_space<vmem>>, vector<16xi32>,
        %sub3A_123 = arith.subi %get3A_122, %broadcast_in_dim3A_56 : vector<16xi32>
        tpu.vector_store_idx %arg9[%sub3A_123], %broadcast_in_dim3A_1 : memref<50176xf32, #tpu.memory_space<vmem>>[vector<16xi32>], vector<16xf32>,
        %mul3A_124 = arith.constant 16 : i32
        %mul3A_125 = arith.muli %scan3A_98, %mul3A_124 : i32
        %add3A_126 = arith.constant 3 : i32
        %add3A_127 = arith.addi %mul3A_125, %add3A_126 : i32
        %mul3A_128 = arith.constant 16 : i32
        %mul3A_129 = arith.muli %add3A_127, %mul3A_128 : i32
        %get3A_130 = arith.index_cast %mul3A_129 : i32 to index
        %get3A_131 = tpu.vector_load %arg5[%get3A_130] {strides = array<i32>} : memref<12560xi32, #tpu.memory_space<vmem>>, vector<16xi32>,
        %sub3A_132 = arith.subi %get3A_131, %broadcast_in_dim3A_56 : vector<16xi32>
        tpu.vector_store_idx %arg9[%sub3A_132], %broadcast_in_dim3A_1 : memref<50176xf32, #tpu.memory_space<vmem>>[vector<16xi32>], vector<16xf32>,
        %mul3A_133 = arith.constant 16 : i32
        %mul3A_134 = arith.muli %scan3A_98, %mul3A_133 : i32
        %add3A_135 = arith.constant 4 : i32
        %add3A_136 = arith.addi %mul3A_134, %add3A_135 : i32
        %mul3A_137 = arith.constant 16 : i32
        %mul3A_138 = arith.muli %add3A_136, %mul3A_137 : i32
        %get3A_139 = arith.index_cast %mul3A_138 : i32 to index
        %get3A_140 = tpu.vector_load %arg5[%get3A_139] {strides = array<i32>} : memref<12560xi32, #tpu.memory_space<vmem>>, vector<16xi32>,
        %sub3A_141 = arith.subi %get3A_140, %broadcast_in_dim3A_56 : vector<16xi32>
        tpu.vector_store_idx %arg9[%sub3A_141], %broadcast_in_dim3A_1 : memref<50176xf32, #tpu.memory_space<vmem>>[vector<16xi32>], vector<16xf32>,
        %mul3A_142 = arith.constant 16 : i32
        %mul3A_143 = arith.muli %scan3A_98, %mul3A_142 : i32
        %add3A_144 = arith.constant 5 : i32
        %add3A_145 = arith.addi %mul3A_143, %add3A_144 : i32
        %mul3A_146 = arith.constant 16 : i32
        %mul3A_147 = arith.muli %add3A_145, %mul3A_146 : i32
        %get3A_148 = arith.index_cast %mul3A_147 : i32 to index
        %get3A_149 = tpu.vector_load %arg5[%get3A_148] {strides = array<i32>} : memref<12560xi32, #tpu.memory_space<vmem>>, vector<16xi32>,
        %sub3A_150 = arith.subi %get3A_149, %broadcast_in_dim3A_56 : vector<16xi32>
        tpu.vector_store_idx %arg9[%sub3A_150], %broadcast_in_dim3A_1 : memref<50176xf32, #tpu.memory_space<vmem>>[vector<16xi32>], vector<16xf32>,
        %mul3A_151 = arith.constant 16 : i32
        %mul3A_152 = arith.muli %scan3A_98, %mul3A_151 : i32
        %add3A_153 = arith.constant 6 : i32
        %add3A_154 = arith.addi %mul3A_152, %add3A_153 : i32
        %mul3A_155 = arith.constant 16 : i32
        %mul3A_156 = arith.muli %add3A_154, %mul3A_155 : i32
        %get3A_157 = arith.index_cast %mul3A_156 : i32 to index
        %get3A_158 = tpu.vector_load %arg5[%get3A_157] {strides = array<i32>} : memref<12560xi32, #tpu.memory_space<vmem>>, vector<16xi32>,
        %sub3A_159 = arith.subi %get3A_158, %broadcast_in_dim3A_56 : vector<16xi32>
        tpu.vector_store_idx %arg9[%sub3A_159], %broadcast_in_dim3A_1 : memref<50176xf32, #tpu.memory_space<vmem>>[vector<16xi32>], vector<16xf32>,
        %mul3A_160 = arith.constant 16 : i32
        %mul3A_161 = arith.muli %scan3A_98, %mul3A_160 : i32
        %add3A_162 = arith.constant 7 : i32
        %add3A_163 = arith.addi %mul3A_161, %add3A_162 : i32
        %mul3A_164 = arith.constant 16 : i32
        %mul3A_165 = arith.muli %add3A_163, %mul3A_164 : i32
        %get3A_166 = arith.index_cast %mul3A_165 : i32 to index
        %get3A_167 = tpu.vector_load %arg5[%get3A_166] {strides = array<i32>} : memref<12560xi32, #tpu.memory_space<vmem>>, vector<16xi32>,
        %sub3A_168 = arith.subi %get3A_167, %broadcast_in_dim3A_56 : vector<16xi32>
        tpu.vector_store_idx %arg9[%sub3A_168], %broadcast_in_dim3A_1 : memref<50176xf32, #tpu.memory_space<vmem>>[vector<16xi32>], vector<16xf32>,
        %mul3A_169 = arith.constant 16 : i32
        %mul3A_170 = arith.muli %scan3A_98, %mul3A_169 : i32
        %add3A_171 = arith.constant 8 : i32
        %add3A_172 = arith.addi %mul3A_170, %add3A_171 : i32
        %mul3A_173 = arith.constant 16 : i32
        %mul3A_174 = arith.muli %add3A_172, %mul3A_173 : i32
        %get3A_175 = arith.index_cast %mul3A_174 : i32 to index
        %get3A_176 = tpu.vector_load %arg5[%get3A_175] {strides = array<i32>} : memref<12560xi32, #tpu.memory_space<vmem>>, vector<16xi32>,
        %sub3A_177 = arith.subi %get3A_176, %broadcast_in_dim3A_56 : vector<16xi32>
        tpu.vector_store_idx %arg9[%sub3A_177], %broadcast_in_dim3A_1 : memref<50176xf32, #tpu.memory_space<vmem>>[vector<16xi32>], vector<16xf32>,
        %mul3A_178 = arith.constant 16 : i32
        %mul3A_179 = arith.muli %scan3A_98, %mul3A_178 : i32
        %add3A_180 = arith.constant 9 : i32
        %add3A_181 = arith.addi %mul3A_179, %add3A_180 : i32
        %mul3A_182 = arith.constant 16 : i32
        %mul3A_183 = arith.muli %add3A_181, %mul3A_182 : i32
        %get3A_184 = arith.index_cast %mul3A_183 : i32 to index
        %get3A_185 = tpu.vector_load %arg5[%get3A_184] {strides = array<i32>} : memref<12560xi32, #tpu.memory_space<vmem>>, vector<16xi32>,
        %sub3A_186 = arith.subi %get3A_185, %broadcast_in_dim3A_56 : vector<16xi32>
        tpu.vector_store_idx %arg9[%sub3A_186], %broadcast_in_dim3A_1 : memref<50176xf32, #tpu.memory_space<vmem>>[vector<16xi32>], vector<16xf32>,
        %mul3A_187 = arith.constant 16 : i32
        %mul3A_188 = arith.muli %scan3A_98, %mul3A_187 : i32
        %add3A_189 = arith.constant 10 : i32
        %add3A_190 = arith.addi %mul3A_188, %add3A_189 : i32
        %mul3A_191 = arith.constant 16 : i32
        %mul3A_192 = arith.muli %add3A_190, %mul3A_191 : i32
        %get3A_193 = arith.index_cast %mul3A_192 : i32 to index
        %get3A_194 = tpu.vector_load %arg5[%get3A_193] {strides = array<i32>} : memref<12560xi32, #tpu.memory_space<vmem>>, vector<16xi32>,
        %sub3A_195 = arith.subi %get3A_194, %broadcast_in_dim3A_56 : vector<16xi32>
        tpu.vector_store_idx %arg9[%sub3A_195], %broadcast_in_dim3A_1 : memref<50176xf32, #tpu.memory_space<vmem>>[vector<16xi32>], vector<16xf32>,
        %mul3A_196 = arith.constant 16 : i32
        %mul3A_197 = arith.muli %scan3A_98, %mul3A_196 : i32
        %add3A_198 = arith.constant 11 : i32
        %add3A_199 = arith.addi %mul3A_197, %add3A_198 : i32
        %mul3A_200 = arith.constant 16 : i32
        %mul3A_201 = arith.muli %add3A_199, %mul3A_200 : i32
        %get3A_202 = arith.index_cast %mul3A_201 : i32 to index
        %get3A_203 = tpu.vector_load %arg5[%get3A_202] {strides = array<i32>} : memref<12560xi32, #tpu.memory_space<vmem>>, vector<16xi32>,
        %sub3A_204 = arith.subi %get3A_203, %broadcast_in_dim3A_56 : vector<16xi32>
        tpu.vector_store_idx %arg9[%sub3A_204], %broadcast_in_dim3A_1 : memref<50176xf32, #tpu.memory_space<vmem>>[vector<16xi32>], vector<16xf32>,
        %mul3A_205 = arith.constant 16 : i32
        %mul3A_206 = arith.muli %scan3A_98, %mul3A_205 : i32
        %add3A_207 = arith.constant 12 : i32
        %add3A_208 = arith.addi %mul3A_206, %add3A_207 : i32
        %mul3A_209 = arith.constant 16 : i32
        %mul3A_210 = arith.muli %add3A_208, %mul3A_209 : i32
        %get3A_211 = arith.index_cast %mul3A_210 : i32 to index
        %get3A_212 = tpu.vector_load %arg5[%get3A_211] {strides = array<i32>} : memref<12560xi32, #tpu.memory_space<vmem>>, vector<16xi32>,
        %sub3A_213 = arith.subi %get3A_212, %broadcast_in_dim3A_56 : vector<16xi32>
        tpu.vector_store_idx %arg9[%sub3A_213], %broadcast_in_dim3A_1 : memref<50176xf32, #tpu.memory_space<vmem>>[vector<16xi32>], vector<16xf32>,
        %mul3A_214 = arith.constant 16 : i32
        %mul3A_215 = arith.muli %scan3A_98, %mul3A_214 : i32
        %add3A_216 = arith.constant 13 : i32
        %add3A_217 = arith.addi %mul3A_215, %add3A_216 : i32
        %mul3A_218 = arith.constant 16 : i32
        %mul3A_219 = arith.muli %add3A_217, %mul3A_218 : i32
        %get3A_220 = arith.index_cast %mul3A_219 : i32 to index
        %get3A_221 = tpu.vector_load %arg5[%get3A_220] {strides = array<i32>} : memref<12560xi32, #tpu.memory_space<vmem>>, vector<16xi32>,
        %sub3A_222 = arith.subi %get3A_221, %broadcast_in_dim3A_56 : vector<16xi32>
        tpu.vector_store_idx %arg9[%sub3A_222], %broadcast_in_dim3A_1 : memref<50176xf32, #tpu.memory_space<vmem>>[vector<16xi32>], vector<16xf32>,
        %mul3A_223 = arith.constant 16 : i32
        %mul3A_224 = arith.muli %scan3A_98, %mul3A_223 : i32
        %add3A_225 = arith.constant 14 : i32
        %add3A_226 = arith.addi %mul3A_224, %add3A_225 : i32
        %mul3A_227 = arith.constant 16 : i32
        %mul3A_228 = arith.muli %add3A_226, %mul3A_227 : i32
        %get3A_229 = arith.index_cast %mul3A_228 : i32 to index
        %get3A_230 = tpu.vector_load %arg5[%get3A_229] {strides = array<i32>} : memref<12560xi32, #tpu.memory_space<vmem>>, vector<16xi32>,
        %sub3A_231 = arith.subi %get3A_230, %broadcast_in_dim3A_56 : vector<16xi32>
        tpu.vector_store_idx %arg9[%sub3A_231], %broadcast_in_dim3A_1 : memref<50176xf32, #tpu.memory_space<vmem>>[vector<16xi32>], vector<16xf32>,
        %mul3A_232 = arith.constant 16 : i32
        %mul3A_233 = arith.muli %scan3A_98, %mul3A_232 : i32
        %add3A_234 = arith.constant 15 : i32
        %add3A_235 = arith.addi %mul3A_233, %add3A_234 : i32
        %mul3A_236 = arith.constant 16 : i32
        %mul3A_237 = arith.muli %add3A_235, %mul3A_236 : i32
        %get3A_238 = arith.index_cast %mul3A_237 : i32 to index
        %get3A_239 = tpu.vector_load %arg5[%get3A_238] {strides = array<i32>} : memref<12560xi32, #tpu.memory_space<vmem>>, vector<16xi32>,
        %sub3A_240 = arith.subi %get3A_239, %broadcast_in_dim3A_56 : vector<16xi32>
        tpu.vector_store_idx %arg9[%sub3A_240], %broadcast_in_dim3A_1 : memref<50176xf32, #tpu.memory_space<vmem>>[vector<16xi32>], vector<16xf32>,
      }
      %scan3A_70 = arith.constant 49 : i32
      %dma_wait3A_71 = arith.constant 0 : i32
      %dma_wait3A_72 = tpu.memref_slice %arg7[%dma_wait3A_71] : memref<12560xi32, #tpu.memory_space<vmem>> -> memref<12544xi32, #tpu.memory_space<vmem>>
      %dma_wait3A_73 = tpu.memref_slice %arg3[%mul3A_35] : memref<19267584xi32, #tpu.memory_space<hbm>> -> memref<12544xi32, #tpu.memory_space<hbm>>
      %dma_wait3A_74 = arith.constant 0 : i32
      %dma_wait3A_75 = tpu.memref_slice %arg7[%dma_wait3A_74] : memref<12560xi32, #tpu.memory_space<vmem>> -> memref<12544xi32, #tpu.memory_space<vmem>>
      %dma_wait3A_76 = tpu.memref_slice %arg3[%mul3A_35] : memref<19267584xi32, #tpu.memory_space<hbm>> -> memref<12544xi32, #tpu.memory_space<hbm>>
      tpu.wait_dma2 semaphore(%arg11 : memref<!tpu.dma_semaphore, #tpu.memory_space<semaphore_mem>>) src(%dma_wait3A_76 : memref<12544xi32, #tpu.memory_space<hbm>>) dst(%dma_wait3A_75 : memref<12544xi32, #tpu.memory_space<vmem>>)
      %dma_wait3A_77 = tpu.memref_slice %arg2[%mul3A_43] : memref<19267584xf32, #tpu.memory_space<hbm>> -> memref<12544xf32, #tpu.memory_space<hbm>>
      %dma_wait3A_78 = tpu.memref_slice %arg2[%mul3A_43] : memref<19267584xf32, #tpu.memory_space<hbm>> -> memref<12544xf32, #tpu.memory_space<hbm>>
      tpu.wait_dma2 semaphore(%arg11 : memref<!tpu.dma_semaphore, #tpu.memory_space<semaphore_mem>>) src(%dma_wait3A_78 : memref<12544xf32, #tpu.memory_space<hbm>>) dst(%arg8 : memref<12544xf32, #tpu.memory_space<vmem>>)
      %swap3A_79 = arith.constant 12544 : index
      %swap3A_80 = tpu.vector_load %arg7[%swap3A_79] {strides = array<i32>} : memref<12560xi32, #tpu.memory_space<vmem>>, vector<16xi32>,
      tpu.vector_store %arg7[%swap3A_79], %broadcast_in_dim3A_3 {strides = array<i32>} : memref<12560xi32, #tpu.memory_space<vmem>>, vector<16xi32>,
      %mul3A_81 = arith.constant 50176 : i32
      %mul3A_82 = arith.muli %add3A_22, %mul3A_81 : i32
      %broadcast_in_dim3A_83 = vector.broadcast %mul3A_82 : i32 to vector<16xi32>
      %scan3A_84 = arith.constant 0 : i32
      %scan3A_85 = arith.constant 0 : i32
      %scan3A_86 = arith.constant 49 : i32
      %scan3A_87 = arith.addi %scan3A_85, %scan3A_86 : i32
      %scan3A_88 = arith.constant 1 : i32
      scf.for %scan3A_98 = %scan3A_85 to %scan3A_87 step %scan3A_88  : i32 {
        %mul3A_99 = arith.constant 16 : i32
        %mul3A_100 = arith.muli %scan3A_98, %mul3A_99 : i32
        %add3A_101 = arith.constant 0 : i32
        %add3A_102 = arith.addi %mul3A_100, %add3A_101 : i32
        %mul3A_103 = arith.constant 16 : i32
        %mul3A_104 = arith.muli %add3A_102, %mul3A_103 : i32
        %get3A = arith.index_cast %mul3A_104 : i32 to index
        %get3A_105 = tpu.vector_load %arg7[%get3A] {strides = array<i32>} : memref<12560xi32, #tpu.memory_space<vmem>>, vector<16xi32>,
        %add3A_106 = arith.constant 1 : i32
        %add3A_107 = arith.addi %mul3A_104, %add3A_106 : i32
        %get3A_108 = arith.index_cast %add3A_107 : i32 to index
        %get3A_109 = tpu.vector_load %arg7[%get3A_108] {strides = array<i32>} : memref<12560xi32, #tpu.memory_space<vmem>>, vector<16xi32>,
        %ne3A = arith.cmpi ne, %get3A_105, %get3A_109 : vector<16xi32>
        %get3A_110 = arith.index_cast %mul3A_104 : i32 to index
        %get3A_111 = tpu.vector_load %arg8[%get3A_110] {strides = array<i32>} : memref<12544xf32, #tpu.memory_space<vmem>>, vector<16xf32>,
        %sub3A = arith.subi %get3A_105, %broadcast_in_dim3A_83 : vector<16xi32>
        tpu.vector_store_idx %arg9[%sub3A], %get3A_111 masked %ne3A : memref<50176xf32, #tpu.memory_space<vmem>>[vector<16xi32>], vector<16xf32>, vector<16xi1>
        %mul3A_112 = arith.constant 16 : i32
        %mul3A_113 = arith.muli %scan3A_98, %mul3A_112 : i32
        %add3A_114 = arith.constant 1 : i32
        %add3A_115 = arith.addi %mul3A_113, %add3A_114 : i32
        %mul3A_116 = arith.constant 16 : i32
        %mul3A_117 = arith.muli %add3A_115, %mul3A_116 : i32
        %get3A_118 = arith.index_cast %mul3A_117 : i32 to index
        %get3A_119 = tpu.vector_load %arg7[%get3A_118] {strides = array<i32>} : memref<12560xi32, #tpu.memory_space<vmem>>, vector<16xi32>,
        %add3A_120 = arith.constant 1 : i32
        %add3A_121 = arith.addi %mul3A_117, %add3A_120 : i32
        %get3A_122 = arith.index_cast %add3A_121 : i32 to index
        %get3A_123 = tpu.vector_load %arg7[%get3A_122] {strides = array<i32>} : memref<12560xi32, #tpu.memory_space<vmem>>, vector<16xi32>,
        %ne3A_124 = arith.cmpi ne, %get3A_119, %get3A_123 : vector<16xi32>
        %get3A_125 = arith.index_cast %mul3A_117 : i32 to index
        %get3A_126 = tpu.vector_load %arg8[%get3A_125] {strides = array<i32>} : memref<12544xf32, #tpu.memory_space<vmem>>, vector<16xf32>,
        %sub3A_127 = arith.subi %get3A_119, %broadcast_in_dim3A_83 : vector<16xi32>
        tpu.vector_store_idx %arg9[%sub3A_127], %get3A_126 masked %ne3A_124 : memref<50176xf32, #tpu.memory_space<vmem>>[vector<16xi32>], vector<16xf32>, vector<16xi1>
        %mul3A_128 = arith.constant 16 : i32
        %mul3A_129 = arith.muli %scan3A_98, %mul3A_128 : i32
        %add3A_130 = arith.constant 2 : i32
        %add3A_131 = arith.addi %mul3A_129, %add3A_130 : i32
        %mul3A_132 = arith.constant 16 : i32
        %mul3A_133 = arith.muli %add3A_131, %mul3A_132 : i32
        %get3A_134 = arith.index_cast %mul3A_133 : i32 to index
        %get3A_135 = tpu.vector_load %arg7[%get3A_134] {strides = array<i32>} : memref<12560xi32, #tpu.memory_space<vmem>>, vector<16xi32>,
        %add3A_136 = arith.constant 1 : i32
        %add3A_137 = arith.addi %mul3A_133, %add3A_136 : i32
        %get3A_138 = arith.index_cast %add3A_137 : i32 to index
        %get3A_139 = tpu.vector_load %arg7[%get3A_138] {strides = array<i32>} : memref<12560xi32, #tpu.memory_space<vmem>>, vector<16xi32>,
        %ne3A_140 = arith.cmpi ne, %get3A_135, %get3A_139 : vector<16xi32>
        %get3A_141 = arith.index_cast %mul3A_133 : i32 to index
        %get3A_142 = tpu.vector_load %arg8[%get3A_141] {strides = array<i32>} : memref<12544xf32, #tpu.memory_space<vmem>>, vector<16xf32>,
        %sub3A_143 = arith.subi %get3A_135, %broadcast_in_dim3A_83 : vector<16xi32>
        tpu.vector_store_idx %arg9[%sub3A_143], %get3A_142 masked %ne3A_140 : memref<50176xf32, #tpu.memory_space<vmem>>[vector<16xi32>], vector<16xf32>, vector<16xi1>
        %mul3A_144 = arith.constant 16 : i32
        %mul3A_145 = arith.muli %scan3A_98, %mul3A_144 : i32
        %add3A_146 = arith.constant 3 : i32
        %add3A_147 = arith.addi %mul3A_145, %add3A_146 : i32
        %mul3A_148 = arith.constant 16 : i32
        %mul3A_149 = arith.muli %add3A_147, %mul3A_148 : i32
        %get3A_150 = arith.index_cast %mul3A_149 : i32 to index
        %get3A_151 = tpu.vector_load %arg7[%get3A_150] {strides = array<i32>} : memref<12560xi32, #tpu.memory_space<vmem>>, vector<16xi32>,
        %add3A_152 = arith.constant 1 : i32
        %add3A_153 = arith.addi %mul3A_149, %add3A_152 : i32
        %get3A_154 = arith.index_cast %add3A_153 : i32 to index
        %get3A_155 = tpu.vector_load %arg7[%get3A_154] {strides = array<i32>} : memref<12560xi32, #tpu.memory_space<vmem>>, vector<16xi32>,
        %ne3A_156 = arith.cmpi ne, %get3A_151, %get3A_155 : vector<16xi32>
        %get3A_157 = arith.index_cast %mul3A_149 : i32 to index
        %get3A_158 = tpu.vector_load %arg8[%get3A_157] {strides = array<i32>} : memref<12544xf32, #tpu.memory_space<vmem>>, vector<16xf32>,
        %sub3A_159 = arith.subi %get3A_151, %broadcast_in_dim3A_83 : vector<16xi32>
        tpu.vector_store_idx %arg9[%sub3A_159], %get3A_158 masked %ne3A_156 : memref<50176xf32, #tpu.memory_space<vmem>>[vector<16xi32>], vector<16xf32>, vector<16xi1>
        %mul3A_160 = arith.constant 16 : i32
        %mul3A_161 = arith.muli %scan3A_98, %mul3A_160 : i32
        %add3A_162 = arith.constant 4 : i32
        %add3A_163 = arith.addi %mul3A_161, %add3A_162 : i32
        %mul3A_164 = arith.constant 16 : i32
        %mul3A_165 = arith.muli %add3A_163, %mul3A_164 : i32
        %get3A_166 = arith.index_cast %mul3A_165 : i32 to index
        %get3A_167 = tpu.vector_load %arg7[%get3A_166] {strides = array<i32>} : memref<12560xi32, #tpu.memory_space<vmem>>, vector<16xi32>,
        %add3A_168 = arith.constant 1 : i32
        %add3A_169 = arith.addi %mul3A_165, %add3A_168 : i32
        %get3A_170 = arith.index_cast %add3A_169 : i32 to index
        %get3A_171 = tpu.vector_load %arg7[%get3A_170] {strides = array<i32>} : memref<12560xi32, #tpu.memory_space<vmem>>, vector<16xi32>,
        %ne3A_172 = arith.cmpi ne, %get3A_167, %get3A_171 : vector<16xi32>
        %get3A_173 = arith.index_cast %mul3A_165 : i32 to index
        %get3A_174 = tpu.vector_load %arg8[%get3A_173] {strides = array<i32>} : memref<12544xf32, #tpu.memory_space<vmem>>, vector<16xf32>,
        %sub3A_175 = arith.subi %get3A_167, %broadcast_in_dim3A_83 : vector<16xi32>
        tpu.vector_store_idx %arg9[%sub3A_175], %get3A_174 masked %ne3A_172 : memref<50176xf32, #tpu.memory_space<vmem>>[vector<16xi32>], vector<16xf32>, vector<16xi1>
        %mul3A_176 = arith.constant 16 : i32
        %mul3A_177 = arith.muli %scan3A_98, %mul3A_176 : i32
        %add3A_178 = arith.constant 5 : i32
        %add3A_179 = arith.addi %mul3A_177, %add3A_178 : i32
        %mul3A_180 = arith.constant 16 : i32
        %mul3A_181 = arith.muli %add3A_179, %mul3A_180 : i32
        %get3A_182 = arith.index_cast %mul3A_181 : i32 to index
        %get3A_183 = tpu.vector_load %arg7[%get3A_182] {strides = array<i32>} : memref<12560xi32, #tpu.memory_space<vmem>>, vector<16xi32>,
        %add3A_184 = arith.constant 1 : i32
        %add3A_185 = arith.addi %mul3A_181, %add3A_184 : i32
        %get3A_186 = arith.index_cast %add3A_185 : i32 to index
        %get3A_187 = tpu.vector_load %arg7[%get3A_186] {strides = array<i32>} : memref<12560xi32, #tpu.memory_space<vmem>>, vector<16xi32>,
        %ne3A_188 = arith.cmpi ne, %get3A_183, %get3A_187 : vector<16xi32>
        %get3A_189 = arith.index_cast %mul3A_181 : i32 to index
        %get3A_190 = tpu.vector_load %arg8[%get3A_189] {strides = array<i32>} : memref<12544xf32, #tpu.memory_space<vmem>>, vector<16xf32>,
        %sub3A_191 = arith.subi %get3A_183, %broadcast_in_dim3A_83 : vector<16xi32>
        tpu.vector_store_idx %arg9[%sub3A_191], %get3A_190 masked %ne3A_188 : memref<50176xf32, #tpu.memory_space<vmem>>[vector<16xi32>], vector<16xf32>, vector<16xi1>
        %mul3A_192 = arith.constant 16 : i32
        %mul3A_193 = arith.muli %scan3A_98, %mul3A_192 : i32
        %add3A_194 = arith.constant 6 : i32
        %add3A_195 = arith.addi %mul3A_193, %add3A_194 : i32
        %mul3A_196 = arith.constant 16 : i32
        %mul3A_197 = arith.muli %add3A_195, %mul3A_196 : i32
        %get3A_198 = arith.index_cast %mul3A_197 : i32 to index
        %get3A_199 = tpu.vector_load %arg7[%get3A_198] {strides = array<i32>} : memref<12560xi32, #tpu.memory_space<vmem>>, vector<16xi32>,
        %add3A_200 = arith.constant 1 : i32
        %add3A_201 = arith.addi %mul3A_197, %add3A_200 : i32
        %get3A_202 = arith.index_cast %add3A_201 : i32 to index
        %get3A_203 = tpu.vector_load %arg7[%get3A_202] {strides = array<i32>} : memref<12560xi32, #tpu.memory_space<vmem>>, vector<16xi32>,
        %ne3A_204 = arith.cmpi ne, %get3A_199, %get3A_203 : vector<16xi32>
        %get3A_205 = arith.index_cast %mul3A_197 : i32 to index
        %get3A_206 = tpu.vector_load %arg8[%get3A_205] {strides = array<i32>} : memref<12544xf32, #tpu.memory_space<vmem>>, vector<16xf32>,
        %sub3A_207 = arith.subi %get3A_199, %broadcast_in_dim3A_83 : vector<16xi32>
        tpu.vector_store_idx %arg9[%sub3A_207], %get3A_206 masked %ne3A_204 : memref<50176xf32, #tpu.memory_space<vmem>>[vector<16xi32>], vector<16xf32>, vector<16xi1>
        %mul3A_208 = arith.constant 16 : i32
        %mul3A_209 = arith.muli %scan3A_98, %mul3A_208 : i32
        %add3A_210 = arith.constant 7 : i32
        %add3A_211 = arith.addi %mul3A_209, %add3A_210 : i32
        %mul3A_212 = arith.constant 16 : i32
        %mul3A_213 = arith.muli %add3A_211, %mul3A_212 : i32
        %get3A_214 = arith.index_cast %mul3A_213 : i32 to index
        %get3A_215 = tpu.vector_load %arg7[%get3A_214] {strides = array<i32>} : memref<12560xi32, #tpu.memory_space<vmem>>, vector<16xi32>,
        %add3A_216 = arith.constant 1 : i32
        %add3A_217 = arith.addi %mul3A_213, %add3A_216 : i32
        %get3A_218 = arith.index_cast %add3A_217 : i32 to index
        %get3A_219 = tpu.vector_load %arg7[%get3A_218] {strides = array<i32>} : memref<12560xi32, #tpu.memory_space<vmem>>, vector<16xi32>,
        %ne3A_220 = arith.cmpi ne, %get3A_215, %get3A_219 : vector<16xi32>
        %get3A_221 = arith.index_cast %mul3A_213 : i32 to index
        %get3A_222 = tpu.vector_load %arg8[%get3A_221] {strides = array<i32>} : memref<12544xf32, #tpu.memory_space<vmem>>, vector<16xf32>,
        %sub3A_223 = arith.subi %get3A_215, %broadcast_in_dim3A_83 : vector<16xi32>
        tpu.vector_store_idx %arg9[%sub3A_223], %get3A_222 masked %ne3A_220 : memref<50176xf32, #tpu.memory_space<vmem>>[vector<16xi32>], vector<16xf32>, vector<16xi1>
        %mul3A_224 = arith.constant 16 : i32
        %mul3A_225 = arith.muli %scan3A_98, %mul3A_224 : i32
        %add3A_226 = arith.constant 8 : i32
        %add3A_227 = arith.addi %mul3A_225, %add3A_226 : i32
        %mul3A_228 = arith.constant 16 : i32
        %mul3A_229 = arith.muli %add3A_227, %mul3A_228 : i32
        %get3A_230 = arith.index_cast %mul3A_229 : i32 to index
        %get3A_231 = tpu.vector_load %arg7[%get3A_230] {strides = array<i32>} : memref<12560xi32, #tpu.memory_space<vmem>>, vector<16xi32>,
        %add3A_232 = arith.constant 1 : i32
        %add3A_233 = arith.addi %mul3A_229, %add3A_232 : i32
        %get3A_234 = arith.index_cast %add3A_233 : i32 to index
        %get3A_235 = tpu.vector_load %arg7[%get3A_234] {strides = array<i32>} : memref<12560xi32, #tpu.memory_space<vmem>>, vector<16xi32>,
        %ne3A_236 = arith.cmpi ne, %get3A_231, %get3A_235 : vector<16xi32>
        %get3A_237 = arith.index_cast %mul3A_229 : i32 to index
        %get3A_238 = tpu.vector_load %arg8[%get3A_237] {strides = array<i32>} : memref<12544xf32, #tpu.memory_space<vmem>>, vector<16xf32>,
        %sub3A_239 = arith.subi %get3A_231, %broadcast_in_dim3A_83 : vector<16xi32>
        tpu.vector_store_idx %arg9[%sub3A_239], %get3A_238 masked %ne3A_236 : memref<50176xf32, #tpu.memory_space<vmem>>[vector<16xi32>], vector<16xf32>, vector<16xi1>
        %mul3A_240 = arith.constant 16 : i32
        %mul3A_241 = arith.muli %scan3A_98, %mul3A_240 : i32
        %add3A_242 = arith.constant 9 : i32
        %add3A_243 = arith.addi %mul3A_241, %add3A_242 : i32
        %mul3A_244 = arith.constant 16 : i32
        %mul3A_245 = arith.muli %add3A_243, %mul3A_244 : i32
        %get3A_246 = arith.index_cast %mul3A_245 : i32 to index
        %get3A_247 = tpu.vector_load %arg7[%get3A_246] {strides = array<i32>} : memref<12560xi32, #tpu.memory_space<vmem>>, vector<16xi32>,
        %add3A_248 = arith.constant 1 : i32
        %add3A_249 = arith.addi %mul3A_245, %add3A_248 : i32
        %get3A_250 = arith.index_cast %add3A_249 : i32 to index
        %get3A_251 = tpu.vector_load %arg7[%get3A_250] {strides = array<i32>} : memref<12560xi32, #tpu.memory_space<vmem>>, vector<16xi32>,
        %ne3A_252 = arith.cmpi ne, %get3A_247, %get3A_251 : vector<16xi32>
        %get3A_253 = arith.index_cast %mul3A_245 : i32 to index
        %get3A_254 = tpu.vector_load %arg8[%get3A_253] {strides = array<i32>} : memref<12544xf32, #tpu.memory_space<vmem>>, vector<16xf32>,
        %sub3A_255 = arith.subi %get3A_247, %broadcast_in_dim3A_83 : vector<16xi32>
        tpu.vector_store_idx %arg9[%sub3A_255], %get3A_254 masked %ne3A_252 : memref<50176xf32, #tpu.memory_space<vmem>>[vector<16xi32>], vector<16xf32>, vector<16xi1>
        %mul3A_256 = arith.constant 16 : i32
        %mul3A_257 = arith.muli %scan3A_98, %mul3A_256 : i32
        %add3A_258 = arith.constant 10 : i32
        %add3A_259 = arith.addi %mul3A_257, %add3A_258 : i32
        %mul3A_260 = arith.constant 16 : i32
        %mul3A_261 = arith.muli %add3A_259, %mul3A_260 : i32
        %get3A_262 = arith.index_cast %mul3A_261 : i32 to index
        %get3A_263 = tpu.vector_load %arg7[%get3A_262] {strides = array<i32>} : memref<12560xi32, #tpu.memory_space<vmem>>, vector<16xi32>,
        %add3A_264 = arith.constant 1 : i32
        %add3A_265 = arith.addi %mul3A_261, %add3A_264 : i32
        %get3A_266 = arith.index_cast %add3A_265 : i32 to index
        %get3A_267 = tpu.vector_load %arg7[%get3A_266] {strides = array<i32>} : memref<12560xi32, #tpu.memory_space<vmem>>, vector<16xi32>,
        %ne3A_268 = arith.cmpi ne, %get3A_263, %get3A_267 : vector<16xi32>
        %get3A_269 = arith.index_cast %mul3A_261 : i32 to index
        %get3A_270 = tpu.vector_load %arg8[%get3A_269] {strides = array<i32>} : memref<12544xf32, #tpu.memory_space<vmem>>, vector<16xf32>,
        %sub3A_271 = arith.subi %get3A_263, %broadcast_in_dim3A_83 : vector<16xi32>
        tpu.vector_store_idx %arg9[%sub3A_271], %get3A_270 masked %ne3A_268 : memref<50176xf32, #tpu.memory_space<vmem>>[vector<16xi32>], vector<16xf32>, vector<16xi1>
        %mul3A_272 = arith.constant 16 : i32
        %mul3A_273 = arith.muli %scan3A_98, %mul3A_272 : i32
        %add3A_274 = arith.constant 11 : i32
        %add3A_275 = arith.addi %mul3A_273, %add3A_274 : i32
        %mul3A_276 = arith.constant 16 : i32
        %mul3A_277 = arith.muli %add3A_275, %mul3A_276 : i32
        %get3A_278 = arith.index_cast %mul3A_277 : i32 to index
        %get3A_279 = tpu.vector_load %arg7[%get3A_278] {strides = array<i32>} : memref<12560xi32, #tpu.memory_space<vmem>>, vector<16xi32>,
        %add3A_280 = arith.constant 1 : i32
        %add3A_281 = arith.addi %mul3A_277, %add3A_280 : i32
        %get3A_282 = arith.index_cast %add3A_281 : i32 to index
        %get3A_283 = tpu.vector_load %arg7[%get3A_282] {strides = array<i32>} : memref<12560xi32, #tpu.memory_space<vmem>>, vector<16xi32>,
        %ne3A_284 = arith.cmpi ne, %get3A_279, %get3A_283 : vector<16xi32>
        %get3A_285 = arith.index_cast %mul3A_277 : i32 to index
        %get3A_286 = tpu.vector_load %arg8[%get3A_285] {strides = array<i32>} : memref<12544xf32, #tpu.memory_space<vmem>>, vector<16xf32>,
        %sub3A_287 = arith.subi %get3A_279, %broadcast_in_dim3A_83 : vector<16xi32>
        tpu.vector_store_idx %arg9[%sub3A_287], %get3A_286 masked %ne3A_284 : memref<50176xf32, #tpu.memory_space<vmem>>[vector<16xi32>], vector<16xf32>, vector<16xi1>
        %mul3A_288 = arith.constant 16 : i32
        %mul3A_289 = arith.muli %scan3A_98, %mul3A_288 : i32
        %add3A_290 = arith.constant 12 : i32
        %add3A_291 = arith.addi %mul3A_289, %add3A_290 : i32
        %mul3A_292 = arith.constant 16 : i32
        %mul3A_293 = arith.muli %add3A_291, %mul3A_292 : i32
        %get3A_294 = arith.index_cast %mul3A_293 : i32 to index
        %get3A_295 = tpu.vector_load %arg7[%get3A_294] {strides = array<i32>} : memref<12560xi32, #tpu.memory_space<vmem>>, vector<16xi32>,
        %add3A_296 = arith.constant 1 : i32
        %add3A_297 = arith.addi %mul3A_293, %add3A_296 : i32
        %get3A_298 = arith.index_cast %add3A_297 : i32 to index
        %get3A_299 = tpu.vector_load %arg7[%get3A_298] {strides = array<i32>} : memref<12560xi32, #tpu.memory_space<vmem>>, vector<16xi32>,
        %ne3A_300 = arith.cmpi ne, %get3A_295, %get3A_299 : vector<16xi32>
        %get3A_301 = arith.index_cast %mul3A_293 : i32 to index
        %get3A_302 = tpu.vector_load %arg8[%get3A_301] {strides = array<i32>} : memref<12544xf32, #tpu.memory_space<vmem>>, vector<16xf32>,
        %sub3A_303 = arith.subi %get3A_295, %broadcast_in_dim3A_83 : vector<16xi32>
        tpu.vector_store_idx %arg9[%sub3A_303], %get3A_302 masked %ne3A_300 : memref<50176xf32, #tpu.memory_space<vmem>>[vector<16xi32>], vector<16xf32>, vector<16xi1>
        %mul3A_304 = arith.constant 16 : i32
        %mul3A_305 = arith.muli %scan3A_98, %mul3A_304 : i32
        %add3A_306 = arith.constant 13 : i32
        %add3A_307 = arith.addi %mul3A_305, %add3A_306 : i32
        %mul3A_308 = arith.constant 16 : i32
        %mul3A_309 = arith.muli %add3A_307, %mul3A_308 : i32
        %get3A_310 = arith.index_cast %mul3A_309 : i32 to index
        %get3A_311 = tpu.vector_load %arg7[%get3A_310] {strides = array<i32>} : memref<12560xi32, #tpu.memory_space<vmem>>, vector<16xi32>,
        %add3A_312 = arith.constant 1 : i32
        %add3A_313 = arith.addi %mul3A_309, %add3A_312 : i32
        %get3A_314 = arith.index_cast %add3A_313 : i32 to index
        %get3A_315 = tpu.vector_load %arg7[%get3A_314] {strides = array<i32>} : memref<12560xi32, #tpu.memory_space<vmem>>, vector<16xi32>,
        %ne3A_316 = arith.cmpi ne, %get3A_311, %get3A_315 : vector<16xi32>
        %get3A_317 = arith.index_cast %mul3A_309 : i32 to index
        %get3A_318 = tpu.vector_load %arg8[%get3A_317] {strides = array<i32>} : memref<12544xf32, #tpu.memory_space<vmem>>, vector<16xf32>,
        %sub3A_319 = arith.subi %get3A_311, %broadcast_in_dim3A_83 : vector<16xi32>
        tpu.vector_store_idx %arg9[%sub3A_319], %get3A_318 masked %ne3A_316 : memref<50176xf32, #tpu.memory_space<vmem>>[vector<16xi32>], vector<16xf32>, vector<16xi1>
        %mul3A_320 = arith.constant 16 : i32
        %mul3A_321 = arith.muli %scan3A_98, %mul3A_320 : i32
        %add3A_322 = arith.constant 14 : i32
        %add3A_323 = arith.addi %mul3A_321, %add3A_322 : i32
        %mul3A_324 = arith.constant 16 : i32
        %mul3A_325 = arith.muli %add3A_323, %mul3A_324 : i32
        %get3A_326 = arith.index_cast %mul3A_325 : i32 to index
        %get3A_327 = tpu.vector_load %arg7[%get3A_326] {strides = array<i32>} : memref<12560xi32, #tpu.memory_space<vmem>>, vector<16xi32>,
        %add3A_328 = arith.constant 1 : i32
        %add3A_329 = arith.addi %mul3A_325, %add3A_328 : i32
        %get3A_330 = arith.index_cast %add3A_329 : i32 to index
        %get3A_331 = tpu.vector_load %arg7[%get3A_330] {strides = array<i32>} : memref<12560xi32, #tpu.memory_space<vmem>>, vector<16xi32>,
        %ne3A_332 = arith.cmpi ne, %get3A_327, %get3A_331 : vector<16xi32>
        %get3A_333 = arith.index_cast %mul3A_325 : i32 to index
        %get3A_334 = tpu.vector_load %arg8[%get3A_333] {strides = array<i32>} : memref<12544xf32, #tpu.memory_space<vmem>>, vector<16xf32>,
        %sub3A_335 = arith.subi %get3A_327, %broadcast_in_dim3A_83 : vector<16xi32>
        tpu.vector_store_idx %arg9[%sub3A_335], %get3A_334 masked %ne3A_332 : memref<50176xf32, #tpu.memory_space<vmem>>[vector<16xi32>], vector<16xf32>, vector<16xi1>
        %mul3A_336 = arith.constant 16 : i32
        %mul3A_337 = arith.muli %scan3A_98, %mul3A_336 : i32
        %add3A_338 = arith.constant 15 : i32
        %add3A_339 = arith.addi %mul3A_337, %add3A_338 : i32
        %mul3A_340 = arith.constant 16 : i32
        %mul3A_341 = arith.muli %add3A_339, %mul3A_340 : i32
        %get3A_342 = arith.index_cast %mul3A_341 : i32 to index
        %get3A_343 = tpu.vector_load %arg7[%get3A_342] {strides = array<i32>} : memref<12560xi32, #tpu.memory_space<vmem>>, vector<16xi32>,
        %add3A_344 = arith.constant 1 : i32
        %add3A_345 = arith.addi %mul3A_341, %add3A_344 : i32
        %get3A_346 = arith.index_cast %add3A_345 : i32 to index
        %get3A_347 = tpu.vector_load %arg7[%get3A_346] {strides = array<i32>} : memref<12560xi32, #tpu.memory_space<vmem>>, vector<16xi32>,
        %ne3A_348 = arith.cmpi ne, %get3A_343, %get3A_347 : vector<16xi32>
        %get3A_349 = arith.index_cast %mul3A_341 : i32 to index
        %get3A_350 = tpu.vector_load %arg8[%get3A_349] {strides = array<i32>} : memref<12544xf32, #tpu.memory_space<vmem>>, vector<16xf32>,
        %sub3A_351 = arith.subi %get3A_343, %broadcast_in_dim3A_83 : vector<16xi32>
        tpu.vector_store_idx %arg9[%sub3A_351], %get3A_350 masked %ne3A_348 : memref<50176xf32, #tpu.memory_space<vmem>>[vector<16xi32>], vector<16xf32>, vector<16xi1>
      }
      %scan3A_89 = arith.constant 49 : i32
      %mul3A_90 = arith.constant 50176 : i32
      %mul3A_91 = arith.muli %add3A_22, %mul3A_90 : i32
      "tpu.region"() ({
        %run_scoped3A = tpu.sem_alloc : memref<!tpu.dma_semaphore, #tpu.memory_space<semaphore_mem>>
        %dma_start3A_98 = tpu.memref_slice %arg4[%mul3A_91] : memref<77070336xf32, #tpu.memory_space<hbm>> -> memref<50176xf32, #tpu.memory_space<hbm>>
        %dma_start3A_99 = tpu.memref_slice %arg4[%mul3A_91] : memref<77070336xf32, #tpu.memory_space<hbm>> -> memref<50176xf32, #tpu.memory_space<hbm>>
        tpu.enqueue_dma source(%arg9 : memref<50176xf32, #tpu.memory_space<vmem>>) target(%dma_start3A_99 : memref<50176xf32, #tpu.memory_space<hbm>>) target_semaphore(%run_scoped3A : memref<!tpu.dma_semaphore, #tpu.memory_space<semaphore_mem>>)
        %dma_wait3A_100 = tpu.memref_slice %arg4[%mul3A_91] : memref<77070336xf32, #tpu.memory_space<hbm>> -> memref<50176xf32, #tpu.memory_space<hbm>>
        %dma_wait3A_101 = tpu.memref_slice %arg4[%mul3A_91] : memref<77070336xf32, #tpu.memory_space<hbm>> -> memref<50176xf32, #tpu.memory_space<hbm>>
        tpu.wait_dma2 semaphore(%run_scoped3A : memref<!tpu.dma_semaphore, #tpu.memory_space<semaphore_mem>>) src(%arg9 : memref<50176xf32, #tpu.memory_space<vmem>>) dst(%dma_wait3A_101 : memref<50176xf32, #tpu.memory_space<hbm>>)
        tpu.yield
      }) : () -> ()
      %scan3A_92 = arith.constant 0 : i32
      %scan3A_93 = arith.constant 0 : i32
      %scan3A_94 = arith.constant 49 : i32
      %scan3A_95 = arith.addi %scan3A_93, %scan3A_94 : i32
      %scan3A_96 = arith.constant 1 : i32
      scf.for %scan3A_98 = %scan3A_93 to %scan3A_95 step %scan3A_96  : i32 {
        %mul3A_99 = arith.constant 16 : i32
        %mul3A_100 = arith.muli %scan3A_98, %mul3A_99 : i32
        %add3A_101 = arith.constant 0 : i32
        %add3A_102 = arith.addi %mul3A_100, %add3A_101 : i32
        %mul3A_103 = arith.constant 16 : i32
        %mul3A_104 = arith.muli %add3A_102, %mul3A_103 : i32
        %get3A = arith.index_cast %mul3A_104 : i32 to index
        %get3A_105 = tpu.vector_load %arg7[%get3A] {strides = array<i32>} : memref<12560xi32, #tpu.memory_space<vmem>>, vector<16xi32>,
        %sub3A = arith.subi %get3A_105, %broadcast_in_dim3A_83 : vector<16xi32>
        tpu.vector_store_idx %arg9[%sub3A], %broadcast_in_dim3A_1 : memref<50176xf32, #tpu.memory_space<vmem>>[vector<16xi32>], vector<16xf32>,
        %mul3A_106 = arith.constant 16 : i32
        %mul3A_107 = arith.muli %scan3A_98, %mul3A_106 : i32
        %add3A_108 = arith.constant 1 : i32
        %add3A_109 = arith.addi %mul3A_107, %add3A_108 : i32
        %mul3A_110 = arith.constant 16 : i32
        %mul3A_111 = arith.muli %add3A_109, %mul3A_110 : i32
        %get3A_112 = arith.index_cast %mul3A_111 : i32 to index
        %get3A_113 = tpu.vector_load %arg7[%get3A_112] {strides = array<i32>} : memref<12560xi32, #tpu.memory_space<vmem>>, vector<16xi32>,
        %sub3A_114 = arith.subi %get3A_113, %broadcast_in_dim3A_83 : vector<16xi32>
        tpu.vector_store_idx %arg9[%sub3A_114], %broadcast_in_dim3A_1 : memref<50176xf32, #tpu.memory_space<vmem>>[vector<16xi32>], vector<16xf32>,
        %mul3A_115 = arith.constant 16 : i32
        %mul3A_116 = arith.muli %scan3A_98, %mul3A_115 : i32
        %add3A_117 = arith.constant 2 : i32
        %add3A_118 = arith.addi %mul3A_116, %add3A_117 : i32
        %mul3A_119 = arith.constant 16 : i32
        %mul3A_120 = arith.muli %add3A_118, %mul3A_119 : i32
        %get3A_121 = arith.index_cast %mul3A_120 : i32 to index
        %get3A_122 = tpu.vector_load %arg7[%get3A_121] {strides = array<i32>} : memref<12560xi32, #tpu.memory_space<vmem>>, vector<16xi32>,
        %sub3A_123 = arith.subi %get3A_122, %broadcast_in_dim3A_83 : vector<16xi32>
        tpu.vector_store_idx %arg9[%sub3A_123], %broadcast_in_dim3A_1 : memref<50176xf32, #tpu.memory_space<vmem>>[vector<16xi32>], vector<16xf32>,
        %mul3A_124 = arith.constant 16 : i32
        %mul3A_125 = arith.muli %scan3A_98, %mul3A_124 : i32
        %add3A_126 = arith.constant 3 : i32
        %add3A_127 = arith.addi %mul3A_125, %add3A_126 : i32
        %mul3A_128 = arith.constant 16 : i32
        %mul3A_129 = arith.muli %add3A_127, %mul3A_128 : i32
        %get3A_130 = arith.index_cast %mul3A_129 : i32 to index
        %get3A_131 = tpu.vector_load %arg7[%get3A_130] {strides = array<i32>} : memref<12560xi32, #tpu.memory_space<vmem>>, vector<16xi32>,
        %sub3A_132 = arith.subi %get3A_131, %broadcast_in_dim3A_83 : vector<16xi32>
        tpu.vector_store_idx %arg9[%sub3A_132], %broadcast_in_dim3A_1 : memref<50176xf32, #tpu.memory_space<vmem>>[vector<16xi32>], vector<16xf32>,
        %mul3A_133 = arith.constant 16 : i32
        %mul3A_134 = arith.muli %scan3A_98, %mul3A_133 : i32
        %add3A_135 = arith.constant 4 : i32
        %add3A_136 = arith.addi %mul3A_134, %add3A_135 : i32
        %mul3A_137 = arith.constant 16 : i32
        %mul3A_138 = arith.muli %add3A_136, %mul3A_137 : i32
        %get3A_139 = arith.index_cast %mul3A_138 : i32 to index
        %get3A_140 = tpu.vector_load %arg7[%get3A_139] {strides = array<i32>} : memref<12560xi32, #tpu.memory_space<vmem>>, vector<16xi32>,
        %sub3A_141 = arith.subi %get3A_140, %broadcast_in_dim3A_83 : vector<16xi32>
        tpu.vector_store_idx %arg9[%sub3A_141], %broadcast_in_dim3A_1 : memref<50176xf32, #tpu.memory_space<vmem>>[vector<16xi32>], vector<16xf32>,
        %mul3A_142 = arith.constant 16 : i32
        %mul3A_143 = arith.muli %scan3A_98, %mul3A_142 : i32
        %add3A_144 = arith.constant 5 : i32
        %add3A_145 = arith.addi %mul3A_143, %add3A_144 : i32
        %mul3A_146 = arith.constant 16 : i32
        %mul3A_147 = arith.muli %add3A_145, %mul3A_146 : i32
        %get3A_148 = arith.index_cast %mul3A_147 : i32 to index
        %get3A_149 = tpu.vector_load %arg7[%get3A_148] {strides = array<i32>} : memref<12560xi32, #tpu.memory_space<vmem>>, vector<16xi32>,
        %sub3A_150 = arith.subi %get3A_149, %broadcast_in_dim3A_83 : vector<16xi32>
        tpu.vector_store_idx %arg9[%sub3A_150], %broadcast_in_dim3A_1 : memref<50176xf32, #tpu.memory_space<vmem>>[vector<16xi32>], vector<16xf32>,
        %mul3A_151 = arith.constant 16 : i32
        %mul3A_152 = arith.muli %scan3A_98, %mul3A_151 : i32
        %add3A_153 = arith.constant 6 : i32
        %add3A_154 = arith.addi %mul3A_152, %add3A_153 : i32
        %mul3A_155 = arith.constant 16 : i32
        %mul3A_156 = arith.muli %add3A_154, %mul3A_155 : i32
        %get3A_157 = arith.index_cast %mul3A_156 : i32 to index
        %get3A_158 = tpu.vector_load %arg7[%get3A_157] {strides = array<i32>} : memref<12560xi32, #tpu.memory_space<vmem>>, vector<16xi32>,
        %sub3A_159 = arith.subi %get3A_158, %broadcast_in_dim3A_83 : vector<16xi32>
        tpu.vector_store_idx %arg9[%sub3A_159], %broadcast_in_dim3A_1 : memref<50176xf32, #tpu.memory_space<vmem>>[vector<16xi32>], vector<16xf32>,
        %mul3A_160 = arith.constant 16 : i32
        %mul3A_161 = arith.muli %scan3A_98, %mul3A_160 : i32
        %add3A_162 = arith.constant 7 : i32
        %add3A_163 = arith.addi %mul3A_161, %add3A_162 : i32
        %mul3A_164 = arith.constant 16 : i32
        %mul3A_165 = arith.muli %add3A_163, %mul3A_164 : i32
        %get3A_166 = arith.index_cast %mul3A_165 : i32 to index
        %get3A_167 = tpu.vector_load %arg7[%get3A_166] {strides = array<i32>} : memref<12560xi32, #tpu.memory_space<vmem>>, vector<16xi32>,
        %sub3A_168 = arith.subi %get3A_167, %broadcast_in_dim3A_83 : vector<16xi32>
        tpu.vector_store_idx %arg9[%sub3A_168], %broadcast_in_dim3A_1 : memref<50176xf32, #tpu.memory_space<vmem>>[vector<16xi32>], vector<16xf32>,
        %mul3A_169 = arith.constant 16 : i32
        %mul3A_170 = arith.muli %scan3A_98, %mul3A_169 : i32
        %add3A_171 = arith.constant 8 : i32
        %add3A_172 = arith.addi %mul3A_170, %add3A_171 : i32
        %mul3A_173 = arith.constant 16 : i32
        %mul3A_174 = arith.muli %add3A_172, %mul3A_173 : i32
        %get3A_175 = arith.index_cast %mul3A_174 : i32 to index
        %get3A_176 = tpu.vector_load %arg7[%get3A_175] {strides = array<i32>} : memref<12560xi32, #tpu.memory_space<vmem>>, vector<16xi32>,
        %sub3A_177 = arith.subi %get3A_176, %broadcast_in_dim3A_83 : vector<16xi32>
        tpu.vector_store_idx %arg9[%sub3A_177], %broadcast_in_dim3A_1 : memref<50176xf32, #tpu.memory_space<vmem>>[vector<16xi32>], vector<16xf32>,
        %mul3A_178 = arith.constant 16 : i32
        %mul3A_179 = arith.muli %scan3A_98, %mul3A_178 : i32
        %add3A_180 = arith.constant 9 : i32
        %add3A_181 = arith.addi %mul3A_179, %add3A_180 : i32
        %mul3A_182 = arith.constant 16 : i32
        %mul3A_183 = arith.muli %add3A_181, %mul3A_182 : i32
        %get3A_184 = arith.index_cast %mul3A_183 : i32 to index
        %get3A_185 = tpu.vector_load %arg7[%get3A_184] {strides = array<i32>} : memref<12560xi32, #tpu.memory_space<vmem>>, vector<16xi32>,
        %sub3A_186 = arith.subi %get3A_185, %broadcast_in_dim3A_83 : vector<16xi32>
        tpu.vector_store_idx %arg9[%sub3A_186], %broadcast_in_dim3A_1 : memref<50176xf32, #tpu.memory_space<vmem>>[vector<16xi32>], vector<16xf32>,
        %mul3A_187 = arith.constant 16 : i32
        %mul3A_188 = arith.muli %scan3A_98, %mul3A_187 : i32
        %add3A_189 = arith.constant 10 : i32
        %add3A_190 = arith.addi %mul3A_188, %add3A_189 : i32
        %mul3A_191 = arith.constant 16 : i32
        %mul3A_192 = arith.muli %add3A_190, %mul3A_191 : i32
        %get3A_193 = arith.index_cast %mul3A_192 : i32 to index
        %get3A_194 = tpu.vector_load %arg7[%get3A_193] {strides = array<i32>} : memref<12560xi32, #tpu.memory_space<vmem>>, vector<16xi32>,
        %sub3A_195 = arith.subi %get3A_194, %broadcast_in_dim3A_83 : vector<16xi32>
        tpu.vector_store_idx %arg9[%sub3A_195], %broadcast_in_dim3A_1 : memref<50176xf32, #tpu.memory_space<vmem>>[vector<16xi32>], vector<16xf32>,
        %mul3A_196 = arith.constant 16 : i32
        %mul3A_197 = arith.muli %scan3A_98, %mul3A_196 : i32
        %add3A_198 = arith.constant 11 : i32
        %add3A_199 = arith.addi %mul3A_197, %add3A_198 : i32
        %mul3A_200 = arith.constant 16 : i32
        %mul3A_201 = arith.muli %add3A_199, %mul3A_200 : i32
        %get3A_202 = arith.index_cast %mul3A_201 : i32 to index
        %get3A_203 = tpu.vector_load %arg7[%get3A_202] {strides = array<i32>} : memref<12560xi32, #tpu.memory_space<vmem>>, vector<16xi32>,
        %sub3A_204 = arith.subi %get3A_203, %broadcast_in_dim3A_83 : vector<16xi32>
        tpu.vector_store_idx %arg9[%sub3A_204], %broadcast_in_dim3A_1 : memref<50176xf32, #tpu.memory_space<vmem>>[vector<16xi32>], vector<16xf32>,
        %mul3A_205 = arith.constant 16 : i32
        %mul3A_206 = arith.muli %scan3A_98, %mul3A_205 : i32
        %add3A_207 = arith.constant 12 : i32
        %add3A_208 = arith.addi %mul3A_206, %add3A_207 : i32
        %mul3A_209 = arith.constant 16 : i32
        %mul3A_210 = arith.muli %add3A_208, %mul3A_209 : i32
        %get3A_211 = arith.index_cast %mul3A_210 : i32 to index
        %get3A_212 = tpu.vector_load %arg7[%get3A_211] {strides = array<i32>} : memref<12560xi32, #tpu.memory_space<vmem>>, vector<16xi32>,
        %sub3A_213 = arith.subi %get3A_212, %broadcast_in_dim3A_83 : vector<16xi32>
        tpu.vector_store_idx %arg9[%sub3A_213], %broadcast_in_dim3A_1 : memref<50176xf32, #tpu.memory_space<vmem>>[vector<16xi32>], vector<16xf32>,
        %mul3A_214 = arith.constant 16 : i32
        %mul3A_215 = arith.muli %scan3A_98, %mul3A_214 : i32
        %add3A_216 = arith.constant 13 : i32
        %add3A_217 = arith.addi %mul3A_215, %add3A_216 : i32
        %mul3A_218 = arith.constant 16 : i32
        %mul3A_219 = arith.muli %add3A_217, %mul3A_218 : i32
        %get3A_220 = arith.index_cast %mul3A_219 : i32 to index
        %get3A_221 = tpu.vector_load %arg7[%get3A_220] {strides = array<i32>} : memref<12560xi32, #tpu.memory_space<vmem>>, vector<16xi32>,
        %sub3A_222 = arith.subi %get3A_221, %broadcast_in_dim3A_83 : vector<16xi32>
        tpu.vector_store_idx %arg9[%sub3A_222], %broadcast_in_dim3A_1 : memref<50176xf32, #tpu.memory_space<vmem>>[vector<16xi32>], vector<16xf32>,
        %mul3A_223 = arith.constant 16 : i32
        %mul3A_224 = arith.muli %scan3A_98, %mul3A_223 : i32
        %add3A_225 = arith.constant 14 : i32
        %add3A_226 = arith.addi %mul3A_224, %add3A_225 : i32
        %mul3A_227 = arith.constant 16 : i32
        %mul3A_228 = arith.muli %add3A_226, %mul3A_227 : i32
        %get3A_229 = arith.index_cast %mul3A_228 : i32 to index
        %get3A_230 = tpu.vector_load %arg7[%get3A_229] {strides = array<i32>} : memref<12560xi32, #tpu.memory_space<vmem>>, vector<16xi32>,
        %sub3A_231 = arith.subi %get3A_230, %broadcast_in_dim3A_83 : vector<16xi32>
        tpu.vector_store_idx %arg9[%sub3A_231], %broadcast_in_dim3A_1 : memref<50176xf32, #tpu.memory_space<vmem>>[vector<16xi32>], vector<16xf32>,
        %mul3A_232 = arith.constant 16 : i32
        %mul3A_233 = arith.muli %scan3A_98, %mul3A_232 : i32
        %add3A_234 = arith.constant 15 : i32
        %add3A_235 = arith.addi %mul3A_233, %add3A_234 : i32
        %mul3A_236 = arith.constant 16 : i32
        %mul3A_237 = arith.muli %add3A_235, %mul3A_236 : i32
        %get3A_238 = arith.index_cast %mul3A_237 : i32 to index
        %get3A_239 = tpu.vector_load %arg7[%get3A_238] {strides = array<i32>} : memref<12560xi32, #tpu.memory_space<vmem>>, vector<16xi32>,
        %sub3A_240 = arith.subi %get3A_239, %broadcast_in_dim3A_83 : vector<16xi32>
        tpu.vector_store_idx %arg9[%sub3A_240], %broadcast_in_dim3A_1 : memref<50176xf32, #tpu.memory_space<vmem>>[vector<16xi32>], vector<16xf32>,
      }
      %scan3A_97 = arith.constant 49 : i32
    }
    %scan3A_14 = arith.constant 24 : i32
    return
  }
}

</mosaic_0001>

<sc_bundles>
// kernel: kernel.3.cloned.1.call-start
scs
__scs_entry_jumppad:
0x0: {  	(pc) =	sbr.rel $0x88, $3  }
0x1: {  	(tag) =	ssettag $0x0;
	lr =	simm.s32 $0x1  }
0x2: {  	[smem:$0x3F9F] =	sst lr;
	_ =	strace $0xD0000000  }
0x3: {  	_ = 	snop  }
0x4: {  	_ = 	snop  }
0x5: {  	_ = 	snop  }
0x6: {  	_ = 	snop  }
0x7: {  	_ = 	snop  }
__scs_overlays_trampoline_lowered:
0x8: {  	[smem:$0x3FAE] =	sst s0  }
0x9: {  	[smem:$0x3FAF] =	sst s1  }
0xa: {  	[smem:$0x3FB0] =	sst s2  }
0xb: {  	[smem:$0x3FB1] =	sst s3  }
0xc: {  	[smem:$0x3FB2] =	sst s4  }
0xd: {  	[smem:$0x3FB3] =	sst s5  }
0xe: {  	[smem:$0x3FB4] =	sst s6  }
0xf: {  	[smem:$0x3FB5] =	sst s7  }
0x10: {  	[smem:$0x3FB6] =	sst s8  }
0x11: {  	[smem:$0x3FB7] =	sst s9;
	s0 =	simm.s32 @!p0 $0x0  }
0x12: {  	s1 =	sld [smem:$0x3F9D];
	s0 =	simm.s32 @p0 $0x1  }
0x13: {  	[smem:$0x3FB8] =	sst s0;
	s0 =	simm.s32 @!p1 $0x0  }
0x14: {  	s2 =	sld [smem:$0x3F9C];
	s0 =	simm.s32 @p1 $0x1  }
0x15: {  	[smem:$0x3FB9] =	sst s0;
	s0 =	simm.s32 @!p2 $0x0  }
0x16: {  	s3 =	sld [smem:$0x3FDB];
	s0 =	simm.s32 @p2 $0x1  }
0x17: {  	s4 =	simm.s32 $0x1BF5;
	[smem:$0x3FBB] =	sst s0  }
0x18: {  	s0 =	sld [smem:$0x3F9E];
	_ =	swait.ge [sflag:s4], $0x0  }
0x19: {  	s7 =	sld [smem:$0x3F9F]  }
0x1a: {  	s8 =	sadd.s32 $0xFFFFE003, lr  }
0x1b: {  	s9 =	sadd.s32 $0xFFFFFEF7, lr;
	s5 =	simm.s32 $0xFFFFFFFF;
	p2 =	slt.u32 s8, $0xFFFFF086  }
0x1c: {  	p1 =	slt.u32 s9, $0xF7A;
	s5 =	simm.s32 @!p2 $0x0  }
0x1d: {  	s5 =	simm.s32 @p1 $0x1;
	p0 =	seq.s32 s7, s2  }
0x1e: {  	s7 =	smul.u32 @!p0 $0xF7A, s2;
	p2 =	seq.s32 @!p0 s5, $0x0  }
0x1f: {  	s9 =	smul.u32 $0xF7A, s1;
	s8 =	simm.s32 @!p0 $0x1BF5;
	p2 =	por !p2, p0  }
0x20: {  	[sflag:s8] =	ssyncset.s32 @!p0 $0xFFFFF086;
	s6 =	sadd.s32 @!p0 s3, s7;
	s7 =	simm.s32 @!p0 $0x108  }
0x21: {  	s3 =	sadd.s32 s3, s9;
	s6 =	sadd.s32 @!p0 $0x88, s6;
	s7 =	simm.s32 @p2 $0x1082  }
0x22: {  	[simem:s7], [sflag:s8] =	dma.local @!p0 [hbm:s6], $0xF7A  }
0x23: {  	s9 =	sor.u32 $0xD0000000, s2;
	s6 =	simm.s32 $0x108;
	_ =	swait.ge @!p0 [sflag:s8], $0x0  }
0x24: {  	s3 =	sadd.s32 $0x88, s3;
	s6 =	simm.s32 @!p1 $0x1082;
	[sflag:s4] =	ssyncset.s32 $0xFFFFF086  }
0x25: {  	[simem:s6], [sflag:s4] =	dma.local [hbm:s3], $0xF7A  }
0x26: {  	[smem:$0x3F9F] =	sst s1;
	(tag) =	ssettag s2;
	_ =	strace s9  }
0x27: {  	s1 =	sld [smem:$0x3FAF]  }
0x28: {  	s2 =	sld [smem:$0x3FB0]  }
0x29: {  	s4 =	sld [smem:$0x3FB2]  }
0x2a: {  	p0 =	seq.s32 s5, $0x0;
	s5 =	sld [smem:$0x3FB3]  }
0x2b: {  	s6 =	sld [smem:$0x3FB4]  }
0x2c: {  	s7 =	sld [smem:$0x3FB5]  }
0x2d: {  	s3 =	simm.s32 $0x108;
	s8 =	sld [smem:$0x3FB6]  }
0x2e: {  	s3 =	simm.s32 @!p0 $0x1082;
	s9 =	sld [smem:$0x3FB7]  }
0x2f: {  	lr =	sadd.s32 s0, s3;
	s0 =	sld [smem:$0x3FAE]  }
0x30: {  	s3 =	sld [smem:$0x3FB1]  }
0x31: {  	[smem:$0x3FBA] =	sst s10  }
0x32: {  	s10 =	sld [smem:$0x3FB8];
	_ =	sdelay $0x3  }
0x33: {  	p0 =	seq.s32 s10, $0x1;
	s10 =	sld [smem:$0x3FBA];
	_ =	sdelay $0x3  }
0x34: {  	[smem:$0x3FBA] =	sst s10  }
0x35: {  	s10 =	sld [smem:$0x3FB9];
	_ =	sdelay $0x3  }
0x36: {  	p1 =	seq.s32 s10, $0x1;
	s10 =	sld [smem:$0x3FBA];
	_ =	sdelay $0x3  }
0x37: {  	[smem:$0x3FBA] =	sst s10  }
0x38: {  	s10 =	sld [smem:$0x3FBB]  }
0x39: {  	_ = 	snop;
	(pc) =	sbr.ind lr, $3  }
0x3a: {  	_ = 	snop  }
0x3b: {  	_ = 	snop  }
0x3c: {  	p2 =	seq.s32 s10, $0x1;
	s10 =	sld [smem:$0x3FBA]  }
0x3d: {  	_ =	shalt  }
0x3e: {  	_ =	shalt  }
0x3f: {  	_ =	shalt  }
0x40: {  	_ =	shalt  }
0x41: {  	_ =	shalt  }
0x42: {  	_ =	shalt  }
0x43: {  	_ =	shalt  }
0x44: {  	_ =	shalt  }
0x45: {  	_ =	shalt  }
0x46: {  	_ =	shalt  }
0x47: {  	_ =	shalt  }
0x48: {  	_ =	shalt  }
0x49: {  	_ =	shalt  }
0x4a: {  	_ =	shalt  }
0x4b: {  	_ =	shalt  }
0x4c: {  	_ =	shalt  }
0x4d: {  	_ =	shalt  }
0x4e: {  	_ =	shalt  }
0x4f: {  	_ =	shalt  }
0x50: {  	_ =	shalt  }
0x51: {  	_ =	shalt  }
0x52: {  	_ =	shalt  }
0x53: {  	_ =	shalt  }
0x54: {  	_ =	shalt  }
0x55: {  	_ =	shalt  }
0x56: {  	_ =	shalt  }
0x57: {  	_ =	shalt  }
0x58: {  	_ =	shalt  }
0x59: {  	_ =	shalt  }
0x5a: {  	_ =	shalt  }
0x5b: {  	_ =	shalt  }
0x5c: {  	_ =	shalt  }
0x5d: {  	_ =	shalt  }
0x5e: {  	_ =	shalt  }
0x5f: {  	_ =	shalt  }
0x60: {  	_ =	shalt  }
0x61: {  	_ =	shalt  }
0x62: {  	_ =	shalt  }
0x63: {  	_ =	shalt  }
0x64: {  	_ =	shalt  }
0x65: {  	_ =	shalt  }
0x66: {  	_ =	shalt  }
0x67: {  	_ =	shalt  }
0x68: {  	_ =	shalt  }
0x69: {  	_ =	shalt  }
0x6a: {  	_ =	shalt  }
0x6b: {  	_ =	shalt  }
0x6c: {  	_ =	shalt  }
0x6d: {  	_ =	shalt  }
0x6e: {  	_ =	shalt  }
0x6f: {  	_ =	shalt  }
0x70: {  	_ =	shalt  }
0x71: {  	_ =	shalt  }
0x72: {  	_ =	shalt  }
0x73: {  	_ =	shalt  }
0x74: {  	_ =	shalt  }
0x75: {  	_ =	shalt  }
0x76: {  	_ =	shalt  }
0x77: {  	_ =	shalt  }
0x78: {  	_ =	shalt  }
0x79: {  	_ =	shalt  }
0x7a: {  	_ =	shalt  }
0x7b: {  	_ =	shalt  }
0x7c: {  	_ =	shalt  }
0x7d: {  	_ =	shalt  }
0x7e: {  	_ =	shalt  }
0x7f: {  	_ =	shalt  }
0x80: {  	_ =	shalt  }
0x81: {  	_ =	shalt  }
0x82: {  	_ =	shalt  }
0x83: {  	_ =	shalt  }
0x84: {  	_ =	shalt  }
0x85: {  	_ =	shalt  }
0x86: {  	_ =	shalt  }
0x87: {  	_ =	shalt  }
.Lfunc_end0:
.L_simem_size_0:
called_computation.1_lowered:
.L_overlay_start_0:
0x88: {  	s2 =	sld [smem:$0x3FD9]  }
0x89: {  	s3 =	sld [smem:$0x3FFE];
	_ =	sdelay $0x1  }
0x8a: {  	s1 =	srdreg.scid  }
0x8b: {  	s0 =	sand.u32 $0x1, s1  }
0x8c: {  	s17 =	sshll.u32 s0, $0xA;
	s2 =	sadd.s32 s3, s2  }
0x8d: {  	s2 =	sadd.s32 s2, s17  }
0x8e: {  	[smem:$0x3FC6] =	sst s2  }
0x8f: {  	_ = 	snop  }
0x90: {  	s2 =	sld [smem:$0x3FD0];
	(tm) =	ssettm $0x1  }
0x91: {  	s18 =	sld [smem:$0x3FFB];
	_ =	sdelay $0x3  }
0x92: {  	_ =	strace s18  }
0x93: {  	s3 =	sld [smem:$0x3FFC];
	_ =	sdelay $0x3  }
0x94: {  	_ =	strace s3  }
0x95: {  	s3 =	sld [smem:$0x3FFD];
	_ =	sdelay $0x3  }
0x96: {  	_ =	strace s3  }
0x97: {  	_ =	strace $0x8FFFFFFF  }
0x98: {  	s19 =	sld [smem:$0x3FDB];
	_ =	sdelay $0x1  }
0x99: {  	s4 =	simm.s32 $_scs_section_size  }
0x9a: {  	s5 =	simm.s32 $_size__tile_overlayer_lowered;
	s6 =	simm.s32 $_tile_overlayer_lowered  }
0x9b: {  	s22 =	simm.s32 $0x1BFF;
	s21 =	sshll.u32 s6, $0x1;
	s3 =	sadd.s32 s4, s19  }
0x9c: {  	s7 =	simm.s32 $0x0;
	s20 =	sshll.u32 s5, $0x1;
	s5 =	sadd.s32 s21, s3  }
0x9d: {  	[timem:s7], [sflag:s22] =	dma.local [hbm:s5], s20  }
0x9e: {  	_ =	swait.ge [sflag:s22], s20  }
0x9f: {  	s4 =	ssub.s32 $0x0, s20;
	[sflag:s22] =	ssyncset.done $0x0  }
0xa0: {  	[sflag:s22] =	ssyncadd.s32 s4;
	_ =	sdelay $0x1  }
0xa1: {  	s23 =	simm.s32 $0x1B8B  }
0xa2: {  	_ =	swait.ge [sflag:s23], $0x1  }
0xa3: {  	[sflag:s23] =	ssyncset.done $0x0  }
0xa4: {  	s25 =	simm.s32 $0x1B8E;
	s24 =	sld [smem:$0x3FFE];
	[sflag:s23] =	ssyncadd.s32 $0xFFFFFFFF  }
0xa5: {  	s26 =	simm.s32 $execute0_lowered;
	[smem:$0x3FD2] =	sst s25  }
0xa6: {  	s5 =	sshll.u32 s26, $0x1;
	_ =	strace $0x80000046;
	[dreg:$0x1] =	wrdreg $0xFFFFFFFF  }
0xa7: {  	s28 =	simm.s32 $_size_execute0_lowered;
	s3 =	sadd.s32 s3, s5;
	[dreg:$0x0] =	wrdreg $0x0  }
0xa8: {  	s5 =	sshll.u32 s28, $0x1;
	[dreg:$0x2] =	wrdreg s3  }
0xa9: {  	[dreg:$0x3] =	wrdreg s5  }
0xaa: {  	[dreg:$0x4] =	wrdreg $0xC0  }
0xab: {  	_ =	task [dreg:s7], $0x5FFFF  }
0xac: {  	[dreg:$0x1] =	wrdreg $0xFFFFFFFF  }
0xad: {  	[dreg:$0x0] =	wrdreg $0x60  }
0xae: {  	[dreg:$0x2] =	wrdreg s24  }
0xaf: {  	[dreg:$0x3] =	wrdreg s2  }
0xb0: {  	[dreg:$0x4] =	wrdreg $0x9  }
0xb1: {  	_ =	task.clear_ibuf [dreg:s7], $0x5FFFF;
	_ =	strace $0x90000046  }
0xb2: {  	s29 =	simm.s32 $0x9;
	_ =	strace $0x80000048  }
0xb3: {  	_ =	swait.ge [sflag:s29], $0x1  }
0xb4: {  	[sflag:s29] =	ssyncadd.s32 $0xFFFFFFFF  }
0xb5: {  	_ =	strace $0x90000048  }
0xb6: {  	_ =	sfence  }
0xb7: {  	s30 =	sld [smem:$0x0];
	_ =	sdelay $0x2  }
0xb8: {  	s31 =	sshll.u32 s1, $0xD;
	s1 =	sshrl.u32 s1, $0x2  }
0xb9: {  	s3 =	sand.u32 $0x4000, s31;
	s1 =	sadd.s32 s1, s30  }
0xba: {  	s0 =	sor.u32 s3, s0;
	s1 =	sshll.u32 s1, $0x11  }
0xbb: {  	s0 =	sor.u32 s1, s0  }
0xbc: {  	s0 =	sadd.s32 $0x8F2B, s0  }
0xbd: {  	[sflag:s0] =	ssyncadd.remote.s32 $0x1  }
0xbe: {  	_ =	sfence.sel $0xFFFF  }
0xbf: {  	[dreg:$0x0] =	wrdreg $0xFFFFFFFF;
	(pc) =	sbr.abs _section_cstart, $3  }
0xc0: {  	[dreg:$0x1] =	wrdreg $0xFFFFFFFF  }
0xc1: {  	_ =	task.clear_ibuf [dreg:s7], $0x2FFFF;
	_ =	strace $0x9FFFFFFF  }
0xc2: {  	(tm) =	ssettm $0x7FFFFFFF  }
0xc3: {  	_ =	shalt  }
tec
execute0_lowered:
.L_overlay_start_1:
0x0: {  	(tag) =	ssettag $0x1  }
0x1: {  	s5 =	rddreg [dreg:$0x0]  }
0x2: {  	s1 =	rddreg [dreg:$0x1]  }
0x3: {  	s0 =	rddreg [dreg:$0x2];
	s2 =	simm.s32 $0x0  }
0x4: {  	s3 =	srdreg.scid;
	s10 =	simm.s32 $0x9320;
	s11 =	simm.s32 $0x1  }
0x5: {  	s12 =	simm.s32 $0xC420;
	s13 =	simm.s32 $0x3;
	s14 =	simm.s32 $0x2  }
0x6: {  	[smem:$0x7FF] =	sst s2;
	s6 =	sand.u32 $0x1, s3;
	s3 =	stileid.u32  }
0x7: {  	s4 =	sadd.s32 $0x24C200, s5;
	s5 =	sadd.s32 $0x200, s5;
	s7 =	ssub.s32 $0x2, s6  }
0x8: {  	_ =	strace $0x80000047;
	s9 =	sshll.u32 s3, $0x1;
	s8 =	sshrl.u32 s7, $0x1  }
0x9: {  	s6 =	sor.u32 s6, s9;
	s9 =	simm.s32 $0x6210;
	s7 =	ssub.s32 s7, s8  }
0xa: {  	v0 =	vimm.f32 $0.0e+00;
	v1 =	vimm.s32 $0xFFFFFFFF;
	s6 =	smul.u32 $0x30, s6;
	s8 =	simm.s32 $0x3110;
	s7 =	smax.u32 s7, $0x1  }
.LBB2_1:
0xb: {  	s16 =	simm.s32 $0x0;
	s15 =	simm.s32 $0x400  }
.LBB2_2:
0xc: {  	p0 =	sne.s32 s15, $0x30C00;
	[tilespmem:s16+$0xC510] =	vst v0  }
0xd: {  	[tilespmem:s16+$0xC420] =	vst v0  }
0xe: {  	[tilespmem:s16+$0xC430] =	vst v0  }
0xf: {  	[tilespmem:s16+$0xC440] =	vst v0  }
0x10: {  	[tilespmem:s16+$0xC450] =	vst v0  }
0x11: {  	[tilespmem:s16+$0xC460] =	vst v0  }
0x12: {  	[tilespmem:s16+$0xC470] =	vst v0  }
0x13: {  	[tilespmem:s16+$0xC480] =	vst v0  }
0x14: {  	[tilespmem:s16+$0xC490] =	vst v0  }
0x15: {  	[tilespmem:s16+$0xC4A0] =	vst v0  }
0x16: {  	[tilespmem:s16+$0xC4B0] =	vst v0  }
.Ltmp0:
0x17: {  	[tilespmem:s16+$0xC4C0] =	vst v0;
	(pc) =	sbr.rel @p0 .LBB2_2-.Ltmp0, $4  }
0x18: {  	[tilespmem:s16+$0xC4D0] =	vst v0  }
0x19: {  	[tilespmem:s16+$0xC4E0] =	vst v0  }
0x1a: {  	[tilespmem:s16+$0xC4F0] =	vst v0  }
0x1b: {  	[tilespmem:s16+$0xC500] =	vst v0;
	s16 =	sshra.s32 s15, $0x2;
	s15 =	sadd.s32 $0x400, s15  }
0x1c: {  	[tilespmem:s16+$0xC510] =	vst v0  }
0x1d: {  	[tilespmem:s16+$0xC420] =	vst v0  }
0x1e: {  	[tilespmem:s16+$0xC430] =	vst v0  }
0x1f: {  	[tilespmem:s16+$0xC440] =	vst v0  }
0x20: {  	[tilespmem:s16+$0xC450] =	vst v0  }
0x21: {  	[tilespmem:s16+$0xC460] =	vst v0  }
0x22: {  	[tilespmem:s16+$0xC470] =	vst v0  }
0x23: {  	[tilespmem:s16+$0xC480] =	vst v0  }
0x24: {  	[tilespmem:s16+$0xC490] =	vst v0  }
0x25: {  	[tilespmem:s16+$0xC4A0] =	vst v0  }
0x26: {  	[tilespmem:s16+$0xC4B0] =	vst v0  }
0x27: {  	[tilespmem:s16+$0xC4C0] =	vst v0  }
0x28: {  	[tilespmem:s16+$0xC4D0] =	vst v0  }
0x29: {  	[tilespmem:s16+$0xC4E0] =	vst v0  }
0x2a: {  	[tilespmem:s16+$0xC4F0] =	vst v0  }
0x2b: {  	s15 =	simm.s32 $0x0;
	[tilespmem:s16+$0xC500] =	vst v0;
	s16 =	simm.s32 $0x0  }
.LBB2_4:
0x2c: {  	s17 =	sshll.u32 s16, $0x1  }
0x2d: {  	s18 =	sadd.s32 s6, s17  }
0x2e: {  	s19 =	smul.u32 $0x620, s18;
	_ =	sdelay $0x1  }
0x2f: {  	s17 =	sor.u32 $0x1, s18;
	s20 =	sadd.s32 s5, s19  }
0x30: {  	[tilespmem:s15], [sflag:$0x1] =	stream.linear.gather [hbm4b:s20+s15], $0x3100, $0x38;
	[tilespmem:$0x18820] =	vst v63  }
0x31: {  	s29 =	smul.u32 $0x620, s17;
	s19 =	sadd.s32 s4, s19  }
0x32: {  	[tilespmem:s8], [sflag:$0x1] =	stream.linear.gather [hbm4b:s19+s15], $0x3100, $0x38;
	[tilespmem:$0x18820] =	vst v63  }
0x33: {  	s30 =	sadd.s32 s5, s29  }
0x34: {  	[tilespmem:s9], [sflag:$0x2] =	stream.linear.gather [hbm4b:s30+s15], $0x3100, $0x38;
	[tilespmem:$0x18820] =	vst v63  }
0x35: {  	s31 =	sadd.s32 s4, s29  }
0x36: {  	[tilespmem:s10], [sflag:$0x2] =	stream.linear.gather [hbm4b:s31+s15], $0x3100, $0x38;
	[tilespmem:$0x18820] =	vst v63  }
0x37: {  	_ =	swait.ge [sflag:s11], $0x3100  }
0x38: {  	[sflag:s11] =	ssyncset.done $0x0  }
0x39: {  	[sflag:s11] =	ssyncadd.s32 $0xFFFFCF00  }
0x3a: {  	_ =	swait.ge [sflag:s11], $0x3100  }
0x3b: {  	s18 =	smul.u32 $0xC400, s18;
	[sflag:s11] =	ssyncset.done $0x0  }
0x3c: {  	[sflag:s11] =	ssyncadd.s32 $0xFFFFCF00  }
0x3d: {  	v2 =	vmov s18;
	s19 =	simm.s32 $0x0;
	[tilespmem:$0x3100] =	vst v1  }
.LBB2_5:
0x3e: {  	s20 =	sshra.s32 s19, $0x2  }
0x3f: {  	v3 =	vld [tilespmem:s20+$0x0]  }
0x40: {  	v4 =	vld [tilespmem:s20+$0x1];
	_ =	sdelay $0x3  }
0x41: {  	v5 =	vsub.s32 v3, v2  }
0x42: {  	vm0 =	vne.s32 v3, v4;
	v3 =	vand.u32 $0x7, v3;
	v58 =	vand.u32 $0xFFFFFFF8, v5  }
0x43: {  	v59 =	vld [tilespmem:s20+$0x3110];
	v3 =	vor.u32 v3, v58;
	_ =	sdelay $0x4  }
0x44: {  	[tilespmem:v3+s12+$0x0] =	vst.idx.msk vm0, v59  }
0x45: {  	v3 =	vld [tilespmem:s20+$0x10]  }
0x46: {  	v60 =	vld [tilespmem:s20+$0x11];
	_ =	sdelay $0x3  }
0x47: {  	v61 =	vsub.s32 v3, v2  }
0x48: {  	vm13 =	vne.s32 v3, v60;
	v3 =	vand.u32 $0x7, v3;
	v62 =	vand.u32 $0xFFFFFFF8, v61  }
0x49: {  	v63 =	vld [tilespmem:s20+$0x3120];
	v3 =	vor.u32 v3, v62;
	_ =	sdelay $0x4  }
0x4a: {  	[tilespmem:v3+s12+$0x0] =	vst.idx.msk vm13, v63  }
0x4b: {  	v3 =	vld [tilespmem:s20+$0x20]  }
0x4c: {  	v8 =	vld [tilespmem:s20+$0x21];
	_ =	sdelay $0x3  }
0x4d: {  	v9 =	vsub.s32 v3, v2  }
0x4e: {  	vm14 =	vne.s32 v3, v8;
	v3 =	vand.u32 $0x7, v3;
	v10 =	vand.u32 $0xFFFFFFF8, v9  }
0x4f: {  	v11 =	vld [tilespmem:s20+$0x3130];
	v3 =	vor.u32 v3, v10;
	_ =	sdelay $0x4  }
0x50: {  	[tilespmem:v3+s12+$0x0] =	vst.idx.msk vm14, v11  }
0x51: {  	v3 =	vld [tilespmem:s20+$0x30]  }
0x52: {  	v12 =	vld [tilespmem:s20+$0x31];
	_ =	sdelay $0x3  }
0x53: {  	v13 =	vsub.s32 v3, v2  }
0x54: {  	vm15 =	vne.s32 v3, v12;
	v3 =	vand.u32 $0x7, v3;
	v14 =	vand.u32 $0xFFFFFFF8, v13  }
0x55: {  	v15 =	vld [tilespmem:s20+$0x3140];
	v3 =	vor.u32 v3, v14;
	_ =	sdelay $0x4  }
0x56: {  	[tilespmem:v3+s12+$0x0] =	vst.idx.msk vm15, v15  }
0x57: {  	v3 =	vld [tilespmem:s20+$0x40]  }
0x58: {  	v16 =	vld [tilespmem:s20+$0x41];
	_ =	sdelay $0x3  }
0x59: {  	v17 =	vsub.s32 v3, v2  }
0x5a: {  	vm4 =	vne.s32 v3, v16;
	v3 =	vand.u32 $0x7, v3;
	v18 =	vand.u32 $0xFFFFFFF8, v17  }
0x5b: {  	v19 =	vld [tilespmem:s20+$0x3150];
	v3 =	vor.u32 v3, v18;
	_ =	sdelay $0x4  }
0x5c: {  	[tilespmem:v3+s12+$0x0] =	vst.idx.msk vm4, v19  }
0x5d: {  	v3 =	vld [tilespmem:s20+$0x50]  }
0x5e: {  	v20 =	vld [tilespmem:s20+$0x51];
	_ =	sdelay $0x3  }
0x5f: {  	v21 =	vsub.s32 v3, v2  }
0x60: {  	vm5 =	vne.s32 v3, v20;
	v3 =	vand.u32 $0x7, v3;
	v22 =	vand.u32 $0xFFFFFFF8, v21  }
0x61: {  	v23 =	vld [tilespmem:s20+$0x3160];
	v3 =	vor.u32 v3, v22;
	_ =	sdelay $0x4  }
0x62: {  	[tilespmem:v3+s12+$0x0] =	vst.idx.msk vm5, v23  }
0x63: {  	v3 =	vld [tilespmem:s20+$0x60]  }
0x64: {  	v24 =	vld [tilespmem:s20+$0x61];
	_ =	sdelay $0x3  }
0x65: {  	v25 =	vsub.s32 v3, v2  }
0x66: {  	vm6 =	vne.s32 v3, v24;
	v3 =	vand.u32 $0x7, v3;
	v26 =	vand.u32 $0xFFFFFFF8, v25  }
0x67: {  	v27 =	vld [tilespmem:s20+$0x3170];
	v3 =	vor.u32 v3, v26;
	_ =	sdelay $0x4  }
0x68: {  	[tilespmem:v3+s12+$0x0] =	vst.idx.msk vm6, v27  }
0x69: {  	v3 =	vld [tilespmem:s20+$0x70]  }
0x6a: {  	v28 =	vld [tilespmem:s20+$0x71];
	_ =	sdelay $0x3  }
0x6b: {  	v29 =	vsub.s32 v3, v2  }
0x6c: {  	vm7 =	vne.s32 v3, v28;
	v3 =	vand.u32 $0x7, v3;
	v30 =	vand.u32 $0xFFFFFFF8, v29  }
0x6d: {  	v31 =	vld [tilespmem:s20+$0x3180];
	v3 =	vor.u32 v3, v30;
	_ =	sdelay $0x4  }
0x6e: {  	[tilespmem:v3+s12+$0x0] =	vst.idx.msk vm7, v31  }
0x6f: {  	v3 =	vld [tilespmem:s20+$0x80]  }
0x70: {  	v32 =	vld [tilespmem:s20+$0x81];
	_ =	sdelay $0x3  }
0x71: {  	v33 =	vsub.s32 v3, v2  }
0x72: {  	vm8 =	vne.s32 v3, v32;
	v3 =	vand.u32 $0x7, v3;
	v34 =	vand.u32 $0xFFFFFFF8, v33  }
0x73: {  	v35 =	vld [tilespmem:s20+$0x3190];
	v3 =	vor.u32 v3, v34;
	_ =	sdelay $0x4  }
0x74: {  	[tilespmem:v3+s12+$0x0] =	vst.idx.msk vm8, v35  }
0x75: {  	v3 =	vld [tilespmem:s20+$0x90]  }
0x76: {  	v36 =	vld [tilespmem:s20+$0x91];
	_ =	sdelay $0x3  }
0x77: {  	v37 =	vsub.s32 v3, v2  }
0x78: {  	vm9 =	vne.s32 v3, v36;
	v3 =	vand.u32 $0x7, v3;
	v38 =	vand.u32 $0xFFFFFFF8, v37  }
0x79: {  	v39 =	vld [tilespmem:s20+$0x31A0];
	v3 =	vor.u32 v3, v38;
	_ =	sdelay $0x4  }
0x7a: {  	[tilespmem:v3+s12+$0x0] =	vst.idx.msk vm9, v39  }
0x7b: {  	v3 =	vld [tilespmem:s20+$0xA0]  }
0x7c: {  	v40 =	vld [tilespmem:s20+$0xA1];
	_ =	sdelay $0x3  }
0x7d: {  	v41 =	vsub.s32 v3, v2  }
0x7e: {  	vm10 =	vne.s32 v3, v40;
	v3 =	vand.u32 $0x7, v3;
	v42 =	vand.u32 $0xFFFFFFF8, v41  }
0x7f: {  	v43 =	vld [tilespmem:s20+$0x31B0];
	v3 =	vor.u32 v3, v42;
	_ =	sdelay $0x4  }
0x80: {  	[tilespmem:v3+s12+$0x0] =	vst.idx.msk vm10, v43  }
0x81: {  	v3 =	vld [tilespmem:s20+$0xB0]  }
0x82: {  	v44 =	vld [tilespmem:s20+$0xB1];
	_ =	sdelay $0x3  }
0x83: {  	v45 =	vsub.s32 v3, v2  }
0x84: {  	vm11 =	vne.s32 v3, v44;
	v3 =	vand.u32 $0x7, v3;
	v46 =	vand.u32 $0xFFFFFFF8, v45  }
0x85: {  	v47 =	vld [tilespmem:s20+$0x31C0];
	v3 =	vor.u32 v3, v46;
	_ =	sdelay $0x4  }
0x86: {  	[tilespmem:v3+s12+$0x0] =	vst.idx.msk vm11, v47  }
0x87: {  	v3 =	vld [tilespmem:s20+$0xC0]  }
0x88: {  	v48 =	vld [tilespmem:s20+$0xC1];
	_ =	sdelay $0x3  }
0x89: {  	v49 =	vsub.s32 v3, v2  }
0x8a: {  	vm12 =	vne.s32 v3, v48;
	v3 =	vand.u32 $0x7, v3;
	v50 =	vand.u32 $0xFFFFFFF8, v49  }
0x8b: {  	v51 =	vld [tilespmem:s20+$0x31D0];
	v3 =	vor.u32 v3, v50;
	_ =	sdelay $0x4  }
0x8c: {  	[tilespmem:v3+s12+$0x0] =	vst.idx.msk vm12, v51  }
0x8d: {  	v3 =	vld [tilespmem:s20+$0xD0]  }
0x8e: {  	v52 =	vld [tilespmem:s20+$0xD1];
	_ =	sdelay $0x3  }
0x8f: {  	v53 =	vsub.s32 v3, v2  }
0x90: {  	vm13 =	vne.s32 v3, v52;
	v3 =	vand.u32 $0x7, v3;
	v54 =	vand.u32 $0xFFFFFFF8, v53  }
0x91: {  	v55 =	vld [tilespmem:s20+$0x31E0];
	v3 =	vor.u32 v3, v54;
	_ =	sdelay $0x4  }
0x92: {  	[tilespmem:v3+s12+$0x0] =	vst.idx.msk vm13, v55  }
0x93: {  	v3 =	vld [tilespmem:s20+$0xE0]  }
0x94: {  	v56 =	vld [tilespmem:s20+$0xE1];
	_ =	sdelay $0x3  }
0x95: {  	v57 =	vsub.s32 v3, v2  }
0x96: {  	vm14 =	vne.s32 v3, v56;
	v3 =	vand.u32 $0x7, v3;
	v58 =	vand.u32 $0xFFFFFFF8, v57  }
0x97: {  	v59 =	vld [tilespmem:s20+$0x31F0];
	v3 =	vor.u32 v3, v58;
	_ =	sdelay $0x4  }
0x98: {  	[tilespmem:v3+s12+$0x0] =	vst.idx.msk vm14, v59  }
0x99: {  	v3 =	vld [tilespmem:s20+$0xF0]  }
0x9a: {  	v60 =	vld [tilespmem:s20+$0xF1];
	_ =	sdelay $0x3  }
0x9b: {  	v61 =	vsub.s32 v3, v2  }
0x9c: {  	vm15 =	vne.s32 v3, v60;
	v3 =	vand.u32 $0x7, v3;
	v62 =	vand.u32 $0xFFFFFFF8, v61  }
0x9d: {  	p0 =	sne.s32 s19, $0xC000;
	v63 =	vld [tilespmem:s20+$0x3200];
	v3 =	vor.u32 v3, v62  }
.Ltmp1:
0x9e: {  	_ = 	snop;
	(pc) =	sbr.rel @p0 .LBB2_5-.Ltmp1, $2  }
0x9f: {  	_ =	sdelay $0x2  }
0xa0: {  	s19 =	sadd.s32 $0x400, s19;
	[tilespmem:v3+s12+$0x0] =	vst.idx.msk vm15, v63  }
0xa1: {  	s18 =	sshrl.u32 s18, $0x3  }
0xa2: {  	s19 =	sadd.s32 s1, s18;
	s18 =	simm.s32 $0x0  }
0xa3: {  	[hbm4b:s19+s18] =	stream.linear.scatter [tilespmem:s12], [sflag:$0x3], $0xC400, $0x38;
	[tilespmem:$0x18820] =	vst v63  }
0xa4: {  	_ =	swait.ge [sflag:s13], $0xC400  }
0xa5: {  	[sflag:s13] =	ssyncset.done $0x0  }
0xa6: {  	[sflag:s13] =	ssyncadd.s32 $0xFFFF3C00  }
.LBB2_7:
0xa7: {  	s19 =	sshra.s32 s18, $0x2  }
0xa8: {  	v3 =	vld [tilespmem:s19+$0x0];
	_ =	sdelay $0x4  }
0xa9: {  	v4 =	vsub.s32 v3, v2  }
0xaa: {  	v3 =	vand.u32 $0x7, v3;
	v4 =	vand.u32 $0xFFFFFFF8, v4  }
0xab: {  	v3 =	vor.u32 v3, v4;
	_ =	sdelay $0x4  }
0xac: {  	[tilespmem:v3+s12+$0x0] =	vst.idx.msk $0xffff, v0  }
0xad: {  	v3 =	vld [tilespmem:s19+$0x10];
	_ =	sdelay $0x4  }
0xae: {  	v49 =	vsub.s32 v3, v2  }
0xaf: {  	v3 =	vand.u32 $0x7, v3;
	v4 =	vand.u32 $0xFFFFFFF8, v49  }
0xb0: {  	v3 =	vor.u32 v3, v4;
	_ =	sdelay $0x4  }
0xb1: {  	[tilespmem:v3+s12+$0x0] =	vst.idx.msk $0xffff, v0  }
0xb2: {  	v3 =	vld [tilespmem:s19+$0x20];
	_ =	sdelay $0x4  }
0xb3: {  	v50 =	vsub.s32 v3, v2  }
0xb4: {  	v3 =	vand.u32 $0x7, v3;
	v4 =	vand.u32 $0xFFFFFFF8, v50  }
0xb5: {  	v3 =	vor.u32 v3, v4;
	_ =	sdelay $0x4  }
0xb6: {  	[tilespmem:v3+s12+$0x0] =	vst.idx.msk $0xffff, v0  }
0xb7: {  	v3 =	vld [tilespmem:s19+$0x30];
	_ =	sdelay $0x4  }
0xb8: {  	v51 =	vsub.s32 v3, v2  }
0xb9: {  	v3 =	vand.u32 $0x7, v3;
	v4 =	vand.u32 $0xFFFFFFF8, v51  }
0xba: {  	v3 =	vor.u32 v3, v4;
	_ =	sdelay $0x4  }
0xbb: {  	[tilespmem:v3+s12+$0x0] =	vst.idx.msk $0xffff, v0  }
0xbc: {  	v3 =	vld [tilespmem:s19+$0x40];
	_ =	sdelay $0x4  }
0xbd: {  	v52 =	vsub.s32 v3, v2  }
0xbe: {  	v3 =	vand.u32 $0x7, v3;
	v4 =	vand.u32 $0xFFFFFFF8, v52  }
0xbf: {  	v3 =	vor.u32 v3, v4;
	_ =	sdelay $0x4  }
0xc0: {  	[tilespmem:v3+s12+$0x0] =	vst.idx.msk $0xffff, v0  }
0xc1: {  	v3 =	vld [tilespmem:s19+$0x50];
	_ =	sdelay $0x4  }
0xc2: {  	v53 =	vsub.s32 v3, v2  }
0xc3: {  	v3 =	vand.u32 $0x7, v3;
	v4 =	vand.u32 $0xFFFFFFF8, v53  }
0xc4: {  	v3 =	vor.u32 v3, v4;
	_ =	sdelay $0x4  }
0xc5: {  	[tilespmem:v3+s12+$0x0] =	vst.idx.msk $0xffff, v0  }
0xc6: {  	v3 =	vld [tilespmem:s19+$0x60];
	_ =	sdelay $0x4  }
0xc7: {  	v54 =	vsub.s32 v3, v2  }
0xc8: {  	v3 =	vand.u32 $0x7, v3;
	v4 =	vand.u32 $0xFFFFFFF8, v54  }
0xc9: {  	v3 =	vor.u32 v3, v4;
	_ =	sdelay $0x4  }
0xca: {  	[tilespmem:v3+s12+$0x0] =	vst.idx.msk $0xffff, v0  }
0xcb: {  	v3 =	vld [tilespmem:s19+$0x70];
	_ =	sdelay $0x4  }
0xcc: {  	v55 =	vsub.s32 v3, v2  }
0xcd: {  	v3 =	vand.u32 $0x7, v3;
	v4 =	vand.u32 $0xFFFFFFF8, v55  }
0xce: {  	v3 =	vor.u32 v3, v4;
	_ =	sdelay $0x4  }
0xcf: {  	[tilespmem:v3+s12+$0x0] =	vst.idx.msk $0xffff, v0  }
0xd0: {  	v3 =	vld [tilespmem:s19+$0x80];
	_ =	sdelay $0x4  }
0xd1: {  	v56 =	vsub.s32 v3, v2  }
0xd2: {  	v3 =	vand.u32 $0x7, v3;
	v4 =	vand.u32 $0xFFFFFFF8, v56  }
0xd3: {  	v3 =	vor.u32 v3, v4;
	_ =	sdelay $0x4  }
0xd4: {  	[tilespmem:v3+s12+$0x0] =	vst.idx.msk $0xffff, v0  }
0xd5: {  	v3 =	vld [tilespmem:s19+$0x90];
	_ =	sdelay $0x4  }
0xd6: {  	v57 =	vsub.s32 v3, v2  }
0xd7: {  	v3 =	vand.u32 $0x7, v3;
	v4 =	vand.u32 $0xFFFFFFF8, v57  }
0xd8: {  	v3 =	vor.u32 v3, v4;
	_ =	sdelay $0x4  }
0xd9: {  	[tilespmem:v3+s12+$0x0] =	vst.idx.msk $0xffff, v0  }
0xda: {  	v3 =	vld [tilespmem:s19+$0xA0];
	_ =	sdelay $0x4  }
0xdb: {  	v58 =	vsub.s32 v3, v2  }
0xdc: {  	v3 =	vand.u32 $0x7, v3;
	v4 =	vand.u32 $0xFFFFFFF8, v58  }
0xdd: {  	v3 =	vor.u32 v3, v4;
	_ =	sdelay $0x4  }
0xde: {  	[tilespmem:v3+s12+$0x0] =	vst.idx.msk $0xffff, v0  }
0xdf: {  	v3 =	vld [tilespmem:s19+$0xB0];
	_ =	sdelay $0x4  }
0xe0: {  	v59 =	vsub.s32 v3, v2  }
0xe1: {  	v3 =	vand.u32 $0x7, v3;
	v4 =	vand.u32 $0xFFFFFFF8, v59  }
0xe2: {  	v3 =	vor.u32 v3, v4;
	_ =	sdelay $0x4  }
0xe3: {  	[tilespmem:v3+s12+$0x0] =	vst.idx.msk $0xffff, v0  }
0xe4: {  	v3 =	vld [tilespmem:s19+$0xC0];
	_ =	sdelay $0x4  }
0xe5: {  	v60 =	vsub.s32 v3, v2  }
0xe6: {  	v3 =	vand.u32 $0x7, v3;
	v4 =	vand.u32 $0xFFFFFFF8, v60  }
0xe7: {  	v3 =	vor.u32 v3, v4;
	_ =	sdelay $0x4  }
0xe8: {  	[tilespmem:v3+s12+$0x0] =	vst.idx.msk $0xffff, v0  }
0xe9: {  	v3 =	vld [tilespmem:s19+$0xD0];
	_ =	sdelay $0x4  }
0xea: {  	v61 =	vsub.s32 v3, v2  }
0xeb: {  	v3 =	vand.u32 $0x7, v3;
	v4 =	vand.u32 $0xFFFFFFF8, v61  }
0xec: {  	v3 =	vor.u32 v3, v4;
	_ =	sdelay $0x4  }
0xed: {  	[tilespmem:v3+s12+$0x0] =	vst.idx.msk $0xffff, v0  }
0xee: {  	v3 =	vld [tilespmem:s19+$0xE0];
	_ =	sdelay $0x4  }
0xef: {  	v62 =	vsub.s32 v3, v2  }
0xf0: {  	v3 =	vand.u32 $0x7, v3;
	v4 =	vand.u32 $0xFFFFFFF8, v62  }
0xf1: {  	v3 =	vor.u32 v3, v4;
	_ =	sdelay $0x4  }
0xf2: {  	[tilespmem:v3+s12+$0x0] =	vst.idx.msk $0xffff, v0  }
0xf3: {  	v3 =	vld [tilespmem:s19+$0xF0];
	_ =	sdelay $0x4  }
0xf4: {  	v63 =	vsub.s32 v3, v2  }
0xf5: {  	v3 =	vand.u32 $0x7, v3;
	v4 =	vand.u32 $0xFFFFFFF8, v63  }
0xf6: {  	p0 =	sne.s32 s18, $0xC000;
	v3 =	vor.u32 v3, v4  }
.Ltmp2:
0xf7: {  	_ = 	snop;
	(pc) =	sbr.rel @p0 .LBB2_7-.Ltmp2, $2  }
0xf8: {  	_ =	sdelay $0x2  }
0xf9: {  	s18 =	sadd.s32 $0x400, s18;
	[tilespmem:v3+s12+$0x0] =	vst.idx.msk $0xffff, v0  }
0xfa: {  	_ =	swait.ge [sflag:s14], $0x3100  }
0xfb: {  	[sflag:s14] =	ssyncset.done $0x0  }
0xfc: {  	[sflag:s14] =	ssyncadd.s32 $0xFFFFCF00  }
0xfd: {  	_ =	swait.ge [sflag:s14], $0x3100  }
0xfe: {  	s17 =	smul.u32 $0xC400, s17;
	[sflag:s14] =	ssyncset.done $0x0  }
0xff: {  	[sflag:s14] =	ssyncadd.s32 $0xFFFFCF00  }
0x100: {  	s18 =	simm.s32 $0x0;
	v2 =	vmov s17;
	[tilespmem:$0x9310] =	vst v1  }
.LBB2_9:
0x101: {  	s19 =	sshra.s32 s18, $0x2  }
0x102: {  	v3 =	vld [tilespmem:s19+$0x6210]  }
0x103: {  	v4 =	vld [tilespmem:s19+$0x6211];
	_ =	sdelay $0x3  }
0x104: {  	v5 =	vsub.s32 v3, v2  }
0x105: {  	vm0 =	vne.s32 v3, v4;
	v3 =	vand.u32 $0x7, v3;
	v58 =	vand.u32 $0xFFFFFFF8, v5  }
0x106: {  	v59 =	vld [tilespmem:s19+$0x9320];
	v3 =	vor.u32 v3, v58;
	_ =	sdelay $0x4  }
0x107: {  	[tilespmem:v3+s12+$0x0] =	vst.idx.msk vm0, v59  }
0x108: {  	v3 =	vld [tilespmem:s19+$0x6220]  }
0x109: {  	v60 =	vld [tilespmem:s19+$0x6221];
	_ =	sdelay $0x3  }
0x10a: {  	v61 =	vsub.s32 v3, v2  }
0x10b: {  	vm13 =	vne.s32 v3, v60;
	v3 =	vand.u32 $0x7, v3;
	v62 =	vand.u32 $0xFFFFFFF8, v61  }
0x10c: {  	v63 =	vld [tilespmem:s19+$0x9330];
	v3 =	vor.u32 v3, v62;
	_ =	sdelay $0x4  }
0x10d: {  	[tilespmem:v3+s12+$0x0] =	vst.idx.msk vm13, v63  }
0x10e: {  	v3 =	vld [tilespmem:s19+$0x6230]  }
0x10f: {  	v8 =	vld [tilespmem:s19+$0x6231];
	_ =	sdelay $0x3  }
0x110: {  	v9 =	vsub.s32 v3, v2  }
0x111: {  	vm14 =	vne.s32 v3, v8;
	v3 =	vand.u32 $0x7, v3;
	v10 =	vand.u32 $0xFFFFFFF8, v9  }
0x112: {  	v11 =	vld [tilespmem:s19+$0x9340];
	v3 =	vor.u32 v3, v10;
	_ =	sdelay $0x4  }
0x113: {  	[tilespmem:v3+s12+$0x0] =	vst.idx.msk vm14, v11  }
0x114: {  	v3 =	vld [tilespmem:s19+$0x6240]  }
0x115: {  	v12 =	vld [tilespmem:s19+$0x6241];
	_ =	sdelay $0x3  }
0x116: {  	v13 =	vsub.s32 v3, v2  }
0x117: {  	vm15 =	vne.s32 v3, v12;
	v3 =	vand.u32 $0x7, v3;
	v14 =	vand.u32 $0xFFFFFFF8, v13  }
0x118: {  	v15 =	vld [tilespmem:s19+$0x9350];
	v3 =	vor.u32 v3, v14;
	_ =	sdelay $0x4  }
0x119: {  	[tilespmem:v3+s12+$0x0] =	vst.idx.msk vm15, v15  }
0x11a: {  	v3 =	vld [tilespmem:s19+$0x6250]  }
0x11b: {  	v16 =	vld [tilespmem:s19+$0x6251];
	_ =	sdelay $0x3  }
0x11c: {  	v17 =	vsub.s32 v3, v2  }
0x11d: {  	vm4 =	vne.s32 v3, v16;
	v3 =	vand.u32 $0x7, v3;
	v18 =	vand.u32 $0xFFFFFFF8, v17  }
0x11e: {  	v19 =	vld [tilespmem:s19+$0x9360];
	v3 =	vor.u32 v3, v18;
	_ =	sdelay $0x4  }
0x11f: {  	[tilespmem:v3+s12+$0x0] =	vst.idx.msk vm4, v19  }
0x120: {  	v3 =	vld [tilespmem:s19+$0x6260]  }
0x121: {  	v20 =	vld [tilespmem:s19+$0x6261];
	_ =	sdelay $0x3  }
0x122: {  	v21 =	vsub.s32 v3, v2  }
0x123: {  	vm5 =	vne.s32 v3, v20;
	v3 =	vand.u32 $0x7, v3;
	v22 =	vand.u32 $0xFFFFFFF8, v21  }
0x124: {  	v23 =	vld [tilespmem:s19+$0x9370];
	v3 =	vor.u32 v3, v22;
	_ =	sdelay $0x4  }
0x125: {  	[tilespmem:v3+s12+$0x0] =	vst.idx.msk vm5, v23  }
0x126: {  	v3 =	vld [tilespmem:s19+$0x6270]  }
0x127: {  	v24 =	vld [tilespmem:s19+$0x6271];
	_ =	sdelay $0x3  }
0x128: {  	v25 =	vsub.s32 v3, v2  }
0x129: {  	vm6 =	vne.s32 v3, v24;
	v3 =	vand.u32 $0x7, v3;
	v26 =	vand.u32 $0xFFFFFFF8, v25  }
0x12a: {  	v27 =	vld [tilespmem:s19+$0x9380];
	v3 =	vor.u32 v3, v26;
	_ =	sdelay $0x4  }
0x12b: {  	[tilespmem:v3+s12+$0x0] =	vst.idx.msk vm6, v27  }
0x12c: {  	v3 =	vld [tilespmem:s19+$0x6280]  }
0x12d: {  	v28 =	vld [tilespmem:s19+$0x6281];
	_ =	sdelay $0x3  }
0x12e: {  	v29 =	vsub.s32 v3, v2  }
0x12f: {  	vm7 =	vne.s32 v3, v28;
	v3 =	vand.u32 $0x7, v3;
	v30 =	vand.u32 $0xFFFFFFF8, v29  }
0x130: {  	v31 =	vld [tilespmem:s19+$0x9390];
	v3 =	vor.u32 v3, v30;
	_ =	sdelay $0x4  }
0x131: {  	[tilespmem:v3+s12+$0x0] =	vst.idx.msk vm7, v31  }
0x132: {  	v3 =	vld [tilespmem:s19+$0x6290]  }
0x133: {  	v32 =	vld [tilespmem:s19+$0x6291];
	_ =	sdelay $0x3  }
0x134: {  	v33 =	vsub.s32 v3, v2  }
0x135: {  	vm8 =	vne.s32 v3, v32;
	v3 =	vand.u32 $0x7, v3;
	v34 =	vand.u32 $0xFFFFFFF8, v33  }
0x136: {  	v35 =	vld [tilespmem:s19+$0x93A0];
	v3 =	vor.u32 v3, v34;
	_ =	sdelay $0x4  }
0x137: {  	[tilespmem:v3+s12+$0x0] =	vst.idx.msk vm8, v35  }
0x138: {  	v3 =	vld [tilespmem:s19+$0x62A0]  }
0x139: {  	v36 =	vld [tilespmem:s19+$0x62A1];
	_ =	sdelay $0x3  }
0x13a: {  	v37 =	vsub.s32 v3, v2  }
0x13b: {  	vm9 =	vne.s32 v3, v36;
	v3 =	vand.u32 $0x7, v3;
	v38 =	vand.u32 $0xFFFFFFF8, v37  }
0x13c: {  	v39 =	vld [tilespmem:s19+$0x93B0];
	v3 =	vor.u32 v3, v38;
	_ =	sdelay $0x4  }
0x13d: {  	[tilespmem:v3+s12+$0x0] =	vst.idx.msk vm9, v39  }
0x13e: {  	v3 =	vld [tilespmem:s19+$0x62B0]  }
0x13f: {  	v40 =	vld [tilespmem:s19+$0x62B1];
	_ =	sdelay $0x3  }
0x140: {  	v41 =	vsub.s32 v3, v2  }
0x141: {  	vm10 =	vne.s32 v3, v40;
	v3 =	vand.u32 $0x7, v3;
	v42 =	vand.u32 $0xFFFFFFF8, v41  }
0x142: {  	v43 =	vld [tilespmem:s19+$0x93C0];
	v3 =	vor.u32 v3, v42;
	_ =	sdelay $0x4  }
0x143: {  	[tilespmem:v3+s12+$0x0] =	vst.idx.msk vm10, v43  }
0x144: {  	v3 =	vld [tilespmem:s19+$0x62C0]  }
0x145: {  	v44 =	vld [tilespmem:s19+$0x62C1];
	_ =	sdelay $0x3  }
0x146: {  	v45 =	vsub.s32 v3, v2  }
0x147: {  	vm11 =	vne.s32 v3, v44;
	v3 =	vand.u32 $0x7, v3;
	v46 =	vand.u32 $0xFFFFFFF8, v45  }
0x148: {  	v47 =	vld [tilespmem:s19+$0x93D0];
	v3 =	vor.u32 v3, v46;
	_ =	sdelay $0x4  }
0x149: {  	[tilespmem:v3+s12+$0x0] =	vst.idx.msk vm11, v47  }
0x14a: {  	v3 =	vld [tilespmem:s19+$0x62D0]  }
0x14b: {  	v48 =	vld [tilespmem:s19+$0x62D1];
	_ =	sdelay $0x3  }
0x14c: {  	v49 =	vsub.s32 v3, v2  }
0x14d: {  	vm12 =	vne.s32 v3, v48;
	v3 =	vand.u32 $0x7, v3;
	v50 =	vand.u32 $0xFFFFFFF8, v49  }
0x14e: {  	v51 =	vld [tilespmem:s19+$0x93E0];
	v3 =	vor.u32 v3, v50;
	_ =	sdelay $0x4  }
0x14f: {  	[tilespmem:v3+s12+$0x0] =	vst.idx.msk vm12, v51  }
0x150: {  	v3 =	vld [tilespmem:s19+$0x62E0]  }
0x151: {  	v52 =	vld [tilespmem:s19+$0x62E1];
	_ =	sdelay $0x3  }
0x152: {  	v53 =	vsub.s32 v3, v2  }
0x153: {  	vm13 =	vne.s32 v3, v52;
	v3 =	vand.u32 $0x7, v3;
	v54 =	vand.u32 $0xFFFFFFF8, v53  }
0x154: {  	v55 =	vld [tilespmem:s19+$0x93F0];
	v3 =	vor.u32 v3, v54;
	_ =	sdelay $0x4  }
0x155: {  	[tilespmem:v3+s12+$0x0] =	vst.idx.msk vm13, v55  }
0x156: {  	v3 =	vld [tilespmem:s19+$0x62F0]  }
0x157: {  	v56 =	vld [tilespmem:s19+$0x62F1];
	_ =	sdelay $0x3  }
0x158: {  	v57 =	vsub.s32 v3, v2  }
0x159: {  	vm14 =	vne.s32 v3, v56;
	v3 =	vand.u32 $0x7, v3;
	v58 =	vand.u32 $0xFFFFFFF8, v57  }
0x15a: {  	v59 =	vld [tilespmem:s19+$0x9400];
	v3 =	vor.u32 v3, v58;
	_ =	sdelay $0x4  }
0x15b: {  	[tilespmem:v3+s12+$0x0] =	vst.idx.msk vm14, v59  }
0x15c: {  	v3 =	vld [tilespmem:s19+$0x6300]  }
0x15d: {  	v60 =	vld [tilespmem:s19+$0x6301];
	_ =	sdelay $0x3  }
0x15e: {  	v61 =	vsub.s32 v3, v2  }
0x15f: {  	vm15 =	vne.s32 v3, v60;
	v3 =	vand.u32 $0x7, v3;
	v62 =	vand.u32 $0xFFFFFFF8, v61  }
0x160: {  	p0 =	sne.s32 s18, $0xC000;
	v63 =	vld [tilespmem:s19+$0x9410];
	v3 =	vor.u32 v3, v62  }
.Ltmp3:
0x161: {  	_ = 	snop;
	(pc) =	sbr.rel @p0 .LBB2_9-.Ltmp3, $2  }
0x162: {  	_ =	sdelay $0x2  }
0x163: {  	s18 =	sadd.s32 $0x400, s18;
	[tilespmem:v3+s12+$0x0] =	vst.idx.msk vm15, v63  }
0x164: {  	s17 =	sshrl.u32 s17, $0x3  }
0x165: {  	s18 =	sadd.s32 s1, s17;
	s17 =	simm.s32 $0x0  }
0x166: {  	[hbm4b:s18+s17] =	stream.linear.scatter [tilespmem:s12], [sflag:$0x3], $0xC400, $0x38;
	[tilespmem:$0x18820] =	vst v63  }
0x167: {  	_ =	swait.ge [sflag:s13], $0xC400  }
0x168: {  	[sflag:s13] =	ssyncset.done $0x0  }
0x169: {  	[sflag:s13] =	ssyncadd.s32 $0xFFFF3C00  }
.LBB2_11:
0x16a: {  	s18 =	sshra.s32 s17, $0x2  }
0x16b: {  	v3 =	vld [tilespmem:s18+$0x6210];
	_ =	sdelay $0x4  }
0x16c: {  	v4 =	vsub.s32 v3, v2  }
0x16d: {  	v3 =	vand.u32 $0x7, v3;
	v4 =	vand.u32 $0xFFFFFFF8, v4  }
0x16e: {  	v3 =	vor.u32 v3, v4;
	_ =	sdelay $0x4  }
0x16f: {  	[tilespmem:v3+s12+$0x0] =	vst.idx.msk $0xffff, v0  }
0x170: {  	v3 =	vld [tilespmem:s18+$0x6220];
	_ =	sdelay $0x4  }
0x171: {  	v49 =	vsub.s32 v3, v2  }
0x172: {  	v3 =	vand.u32 $0x7, v3;
	v4 =	vand.u32 $0xFFFFFFF8, v49  }
0x173: {  	v3 =	vor.u32 v3, v4;
	_ =	sdelay $0x4  }
0x174: {  	[tilespmem:v3+s12+$0x0] =	vst.idx.msk $0xffff, v0  }
0x175: {  	v3 =	vld [tilespmem:s18+$0x6230];
	_ =	sdelay $0x4  }
0x176: {  	v50 =	vsub.s32 v3, v2  }
0x177: {  	v3 =	vand.u32 $0x7, v3;
	v4 =	vand.u32 $0xFFFFFFF8, v50  }
0x178: {  	v3 =	vor.u32 v3, v4;
	_ =	sdelay $0x4  }
0x179: {  	[tilespmem:v3+s12+$0x0] =	vst.idx.msk $0xffff, v0  }
0x17a: {  	v3 =	vld [tilespmem:s18+$0x6240];
	_ =	sdelay $0x4  }
0x17b: {  	v51 =	vsub.s32 v3, v2  }
0x17c: {  	v3 =	vand.u32 $0x7, v3;
	v4 =	vand.u32 $0xFFFFFFF8, v51  }
0x17d: {  	v3 =	vor.u32 v3, v4;
	_ =	sdelay $0x4  }
0x17e: {  	[tilespmem:v3+s12+$0x0] =	vst.idx.msk $0xffff, v0  }
0x17f: {  	v3 =	vld [tilespmem:s18+$0x6250];
	_ =	sdelay $0x4  }
0x180: {  	v52 =	vsub.s32 v3, v2  }
0x181: {  	v3 =	vand.u32 $0x7, v3;
	v4 =	vand.u32 $0xFFFFFFF8, v52  }
0x182: {  	v3 =	vor.u32 v3, v4;
	_ =	sdelay $0x4  }
0x183: {  	[tilespmem:v3+s12+$0x0] =	vst.idx.msk $0xffff, v0  }
0x184: {  	v3 =	vld [tilespmem:s18+$0x6260];
	_ =	sdelay $0x4  }
0x185: {  	v53 =	vsub.s32 v3, v2  }
0x186: {  	v3 =	vand.u32 $0x7, v3;
	v4 =	vand.u32 $0xFFFFFFF8, v53  }
0x187: {  	v3 =	vor.u32 v3, v4;
	_ =	sdelay $0x4  }
0x188: {  	[tilespmem:v3+s12+$0x0] =	vst.idx.msk $0xffff, v0  }
0x189: {  	v3 =	vld [tilespmem:s18+$0x6270];
	_ =	sdelay $0x4  }
0x18a: {  	v54 =	vsub.s32 v3, v2  }
0x18b: {  	v3 =	vand.u32 $0x7, v3;
	v4 =	vand.u32 $0xFFFFFFF8, v54  }
0x18c: {  	v3 =	vor.u32 v3, v4;
	_ =	sdelay $0x4  }
0x18d: {  	[tilespmem:v3+s12+$0x0] =	vst.idx.msk $0xffff, v0  }
0x18e: {  	v3 =	vld [tilespmem:s18+$0x6280];
	_ =	sdelay $0x4  }
0x18f: {  	v55 =	vsub.s32 v3, v2  }
0x190: {  	v3 =	vand.u32 $0x7, v3;
	v4 =	vand.u32 $0xFFFFFFF8, v55  }
0x191: {  	v3 =	vor.u32 v3, v4;
	_ =	sdelay $0x4  }
0x192: {  	[tilespmem:v3+s12+$0x0] =	vst.idx.msk $0xffff, v0  }
0x193: {  	v3 =	vld [tilespmem:s18+$0x6290];
	_ =	sdelay $0x4  }
0x194: {  	v56 =	vsub.s32 v3, v2  }
0x195: {  	v3 =	vand.u32 $0x7, v3;
	v4 =	vand.u32 $0xFFFFFFF8, v56  }
0x196: {  	v3 =	vor.u32 v3, v4;
	_ =	sdelay $0x4  }
0x197: {  	[tilespmem:v3+s12+$0x0] =	vst.idx.msk $0xffff, v0  }
0x198: {  	v3 =	vld [tilespmem:s18+$0x62A0];
	_ =	sdelay $0x4  }
0x199: {  	v57 =	vsub.s32 v3, v2  }
0x19a: {  	v3 =	vand.u32 $0x7, v3;
	v4 =	vand.u32 $0xFFFFFFF8, v57  }
0x19b: {  	v3 =	vor.u32 v3, v4;
	_ =	sdelay $0x4  }
0x19c: {  	[tilespmem:v3+s12+$0x0] =	vst.idx.msk $0xffff, v0  }
0x19d: {  	v3 =	vld [tilespmem:s18+$0x62B0];
	_ =	sdelay $0x4  }
0x19e: {  	v58 =	vsub.s32 v3, v2  }
0x19f: {  	v3 =	vand.u32 $0x7, v3;
	v4 =	vand.u32 $0xFFFFFFF8, v58  }
0x1a0: {  	v3 =	vor.u32 v3, v4;
	_ =	sdelay $0x4  }
0x1a1: {  	[tilespmem:v3+s12+$0x0] =	vst.idx.msk $0xffff, v0  }
0x1a2: {  	v3 =	vld [tilespmem:s18+$0x62C0];
	_ =	sdelay $0x4  }
0x1a3: {  	v59 =	vsub.s32 v3, v2  }
0x1a4: {  	v3 =	vand.u32 $0x7, v3;
	v4 =	vand.u32 $0xFFFFFFF8, v59  }
0x1a5: {  	v3 =	vor.u32 v3, v4;
	_ =	sdelay $0x4  }
0x1a6: {  	[tilespmem:v3+s12+$0x0] =	vst.idx.msk $0xffff, v0  }
0x1a7: {  	v3 =	vld [tilespmem:s18+$0x62D0];
	_ =	sdelay $0x4  }
0x1a8: {  	v60 =	vsub.s32 v3, v2  }
0x1a9: {  	v3 =	vand.u32 $0x7, v3;
	v4 =	vand.u32 $0xFFFFFFF8, v60  }
0x1aa: {  	v3 =	vor.u32 v3, v4;
	_ =	sdelay $0x4  }
0x1ab: {  	[tilespmem:v3+s12+$0x0] =	vst.idx.msk $0xffff, v0  }
0x1ac: {  	v3 =	vld [tilespmem:s18+$0x62E0];
	_ =	sdelay $0x4  }
0x1ad: {  	v61 =	vsub.s32 v3, v2  }
0x1ae: {  	v3 =	vand.u32 $0x7, v3;
	v4 =	vand.u32 $0xFFFFFFF8, v61  }
0x1af: {  	v3 =	vor.u32 v3, v4;
	_ =	sdelay $0x4  }
0x1b0: {  	[tilespmem:v3+s12+$0x0] =	vst.idx.msk $0xffff, v0  }
0x1b1: {  	v3 =	vld [tilespmem:s18+$0x62F0];
	_ =	sdelay $0x4  }
0x1b2: {  	v62 =	vsub.s32 v3, v2  }
0x1b3: {  	v3 =	vand.u32 $0x7, v3;
	v4 =	vand.u32 $0xFFFFFFF8, v62  }
0x1b4: {  	v3 =	vor.u32 v3, v4;
	_ =	sdelay $0x4  }
0x1b5: {  	[tilespmem:v3+s12+$0x0] =	vst.idx.msk $0xffff, v0  }
0x1b6: {  	v3 =	vld [tilespmem:s18+$0x6300];
	_ =	sdelay $0x4  }
0x1b7: {  	v63 =	vsub.s32 v3, v2  }
0x1b8: {  	v3 =	vand.u32 $0x7, v3;
	v4 =	vand.u32 $0xFFFFFFF8, v63  }
0x1b9: {  	p0 =	sne.s32 s17, $0xC000;
	v3 =	vor.u32 v3, v4  }
.Ltmp4:
0x1ba: {  	_ = 	snop;
	(pc) =	sbr.rel @p0 .LBB2_11-.Ltmp4, $2  }
0x1bb: {  	_ =	sdelay $0x2  }
0x1bc: {  	s17 =	sadd.s32 $0x400, s17;
	[tilespmem:v3+s12+$0x0] =	vst.idx.msk $0xffff, v0  }
0x1bd: {  	s16 =	sadd.s32 $0x1, s16  }
0x1be: {  	p0 =	sne.s32 s16, $0x18  }
.Ltmp5:
0x1bf: {  	_ = 	snop;
	(pc) =	sbr.rel @p0 .LBB2_4-.Ltmp5, $1  }
0x1c0: {  	_ =	sdelay $0x3  }
0x1c1: {  	s2 =	sadd.s32 $0x1, s2  }
0x1c2: {  	p0 =	sne.s32 s2, s7  }
.Ltmp6:
0x1c3: {  	_ = 	snop;
	(pc) =	sbr.rel @p0 .LBB2_1-.Ltmp6, $1  }
0x1c4: {  	_ =	sdelay $0x3  }
0x1c5: {  	_ =	sfence.sel $0x180000  }
0x1c6: {  	[bflag:$0x0] =	sbarrier.arrive $0xFFFF  }
0x1c7: {  	p0 =	sne.s32 s3, $0x0;
	_ =	strace $0x90000047  }
0x1c8: {  	s0 =	sadd.s32 @!p0 $0x100000, s0;
	[bflag:$0x2] =	sbarrier.arrive $0xFFFF  }
0x1c9: {  	[sflag:s0] =	ssyncadd.tile.s32 @!p0 $0x1;
	_ =	shalt  }
.Lfunc_end2:
_tile_overlayer_lowered:
.L_overlay_start_2:
0x1ca: {  	(tag) =	ssettag $0x2  }
0x1cb: {  	s0 =	rddreg [dreg:$0x0];
	s2 =	stileid.u32  }
0x1cc: {  	s1 =	rddreg [dreg:$0x1];
	p0 =	sne.s32 s2, $0x0  }
0x1cd: {  	s3 =	rddreg [dreg:$0x2];
	[bflag:$0x3] =	sbarrier.arrive $0xFFFF;
	s2 =	simm.s32 @!p0 $0x1C03  }
0x1ce: {  	[timem:s3], [sflag:s2] =	dma.local @!p0 [hbm:s0], s1  }
0x1cf: {  	s0 =	simm.s32 @!p0 $0x3  }
0x1d0: {  	_ =	swait.ge @!p0 [sflag:s0], s1  }
0x1d1: {  	s1 =	ssub.s32 @!p0 $0x0, s1;
	[sflag:s0] =	ssyncset.done @!p0 $0x0  }
0x1d2: {  	[sflag:s0] =	ssyncadd.s32 @!p0 s1  }
0x1d3: {  	[bflag:$0x3] =	sbarrier.arrive $0xFFFF  }
0x1d4: {  	_ =	shalt  }

// kernel: sparse-core-data-format-call.cloned.1.call-start
scs
called_computation_lowered:
.L_overlay_start_0:
0x0: {  	s2 =	sld [smem:$0x3FD9]  }
0x1: {  	s3 =	sld [smem:$0x3FFE];
	_ =	sdelay $0x1  }
0x2: {  	s1 =	srdreg.scid  }
0x3: {  	s0 =	sand.u32 $0x1, s1  }
0x4: {  	s18 =	sshll.u32 s0, $0xA;
	s2 =	sadd.s32 s3, s2  }
0x5: {  	s2 =	sadd.s32 s2, s18  }
0x6: {  	[smem:$0x3FC6] =	sst s2  }
0x7: {  	_ = 	snop  }
0x8: {  	s2 =	sld [smem:$0x3FD0];
	(tm) =	ssettm $0x1  }
0x9: {  	s19 =	sld [smem:$0x3FFB];
	_ =	sdelay $0x3  }
0xa: {  	_ =	strace s19  }
0xb: {  	s3 =	sld [smem:$0x3FFC];
	_ =	sdelay $0x3  }
0xc: {  	_ =	strace s3  }
0xd: {  	s3 =	sld [smem:$0x3FFD];
	_ =	sdelay $0x3  }
0xe: {  	_ =	strace s3  }
0xf: {  	_ =	strace $0x8FFFFFFF  }
0x10: {  	s20 =	sld [smem:$0x3FDB];
	_ =	sdelay $0x1  }
0x11: {  	s4 =	simm.s32 $_scs_section_size  }
0x12: {  	s5 =	simm.s32 $_size__tile_overlayer_lowered;
	s6 =	simm.s32 $_tile_overlayer_lowered  }
0x13: {  	s23 =	simm.s32 $0x1BFF;
	s22 =	sshll.u32 s6, $0x1;
	s3 =	sadd.s32 s4, s20  }
0x14: {  	s7 =	simm.s32 $0x0;
	s21 =	sshll.u32 s5, $0x1;
	s5 =	sadd.s32 s22, s3  }
0x15: {  	[timem:s7], [sflag:s23] =	dma.local [hbm:s5], s21  }
0x16: {  	_ =	swait.ge [sflag:s23], s21  }
0x17: {  	s4 =	ssub.s32 $0x0, s21;
	[sflag:s23] =	ssyncset.done $0x0  }
0x18: {  	[sflag:s23] =	ssyncadd.s32 s4;
	_ =	sdelay $0x1  }
0x19: {  	s24 =	simm.s32 $0x1B8B  }
0x1a: {  	_ =	swait.ge [sflag:s24], $0x1  }
0x1b: {  	[sflag:s24] =	ssyncset.done $0x0  }
0x1c: {  	s26 =	simm.s32 $0x1B8E;
	s25 =	sld [smem:$0x3FFE];
	[sflag:s24] =	ssyncadd.s32 $0xFFFFFFFF  }
0x1d: {  	s27 =	simm.s32 $execute0_lowered;
	[smem:$0x3FD2] =	sst s26  }
0x1e: {  	s5 =	sshll.u32 s27, $0x1;
	_ =	strace $0x80000049;
	[dreg:$0x1] =	wrdreg $0xFFFFFFFF  }
0x1f: {  	s28 =	simm.s32 $_size_execute0_lowered;
	s3 =	sadd.s32 s3, s5;
	[dreg:$0x0] =	wrdreg $0x0  }
0x20: {  	s5 =	sshll.u32 s28, $0x1;
	[dreg:$0x2] =	wrdreg s3  }
0x21: {  	[dreg:$0x3] =	wrdreg s5  }
0x22: {  	[dreg:$0x4] =	wrdreg $0xC0  }
0x23: {  	_ =	task [dreg:s7], $0x5FFFF  }
0x24: {  	[dreg:$0x1] =	wrdreg $0xFFFFFFFF  }
0x25: {  	[dreg:$0x0] =	wrdreg $0x60  }
0x26: {  	[dreg:$0x2] =	wrdreg s25  }
0x27: {  	[dreg:$0x3] =	wrdreg s2  }
0x28: {  	[dreg:$0x4] =	wrdreg $0x9  }
0x29: {  	_ =	task.clear_ibuf [dreg:s7], $0x5FFFF;
	_ =	strace $0x90000049  }
0x2a: {  	s29 =	simm.s32 $0x9;
	_ =	strace $0x8000004B  }
0x2b: {  	_ =	swait.ge [sflag:s29], $0x1  }
0x2c: {  	[sflag:s29] =	ssyncadd.s32 $0xFFFFFFFF  }
0x2d: {  	_ =	strace $0x9000004B  }
0x2e: {  	_ =	sfence  }
0x2f: {  	s30 =	sld [smem:$0x0];
	_ =	sdelay $0x2  }
0x30: {  	s31 =	sshll.u32 s1, $0xD;
	s1 =	sshrl.u32 s1, $0x2  }
0x31: {  	s3 =	sand.u32 $0x4000, s31;
	s1 =	sadd.s32 s1, s30  }
0x32: {  	s0 =	sor.u32 s3, s0;
	s1 =	sshll.u32 s1, $0x11  }
0x33: {  	s0 =	sor.u32 s1, s0  }
0x34: {  	s0 =	sadd.s32 $0x8F2B, s0  }
0x35: {  	[sflag:s0] =	ssyncadd.remote.s32 $0x1  }
0x36: {  	_ =	sfence.sel $0xFFFF  }
0x37: {  	[dreg:$0x0] =	wrdreg $0xFFFFFFFF;
	(pc) =	sbr.abs _section_cstart, $3  }
0x38: {  	[dreg:$0x1] =	wrdreg $0xFFFFFFFF  }
0x39: {  	_ =	task.clear_ibuf [dreg:s7], $0x2FFFF;
	_ =	strace $0x9FFFFFFF  }
0x3a: {  	(tm) =	ssettm $0x7FFFFFFF  }
0x3b: {  	_ =	shalt  }
tec
execute0_lowered:
.L_overlay_start_1:
0x0: {  	(tag) =	ssettag $0x1  }
0x1: {  	s4 =	rddreg [dreg:$0x0];
	s0 =	stileid.u32;
	_ =	strace $0x8000004A  }
0x2: {  	s5 =	srdreg.scid;
	s8 =	simm.s32 $0x2;
	s19 =	simm.s32 $0x0  }
0x3: {  	p0 =	por $0x0, $0x0;
	s9 =	simm.s32 $0x1800;
	s21 =	simm.s32 $0x0  }
0x4: {  	s20 =	simm.s32 $0x0;
	s22 =	simm.s32 $0x0;
	s10 =	simm.s32 $0x0  }
0x5: {  	s11 =	simm.s32 $0x0;
	s12 =	simm.s32 $0x0;
	s2 =	simm.s32 $0x0  }
0x6: {  	s14 =	simm.s32 $0x0;
	s16 =	simm.s32 $0x0;
	s3 =	sand.u32 $0x1, s0  }
0x7: {  	s18 =	simm.s32 $0x0;
	s5 =	sshll.u32 s5, $0x4;
	s6 =	ssub.s32 $0x2, s3  }
.Ltmp0:
0x8: {  	s7 =	sshrl.u32 s6, $0x1;
	s6 =	sand.u32 $0x1, s6;
	(pc) =	sbr.rel .LBB1_1-.Ltmp0, $4  }
0x9: {  	s4 =	sadd.s32 $0x200, s4;
	s5 =	sand.u32 $0x10, s5;
	s6 =	sadd.s32 s6, s7  }
0xa: {  	s31 =	sor.u32 s0, s5;
	s5 =	simm.s32 $0x1;
	s6 =	smul.u32 $0xA8, s6  }
0xb: {  	s17 =	smov.u32 s3;
	s7 =	sshrl.u32 s31, $0x1;
	[sflag:s5] =	ssyncpa.u1 $0x0  }
0xc: {  	[sflag:s8] =	ssyncpa.u1 $0x0;
	s15 =	smov.u32 s7;
	s8 =	sor.u32 $0x1, s6  }
.LBB1_4:
0xd: {  	s28 =	sshrl.u32 s10, $0x3;
	s29 =	sshll.u32 s12, $0x3;
	[tilespmem:s26+$0x2040 ss:$0x81] =	vst.msk $0xffff, v4  }
0xe: {  	s30 =	sshll.u32 s10, $0x7;
	p1 =	sgt.s32 s2, $0x1;
	p2 =	sgt.s32 s11, $0xDF;
	[tilespmem:s26+$0x2850 ss:$0x81] =	vst.msk $0xffff, v3  }
0xf: {  	s31 =	sshra.s32 s11, $0x1F;
	s0 =	sshra.s32 s2, $0x1F;
	s1 =	sshra.s32 s12, $0x1F;
	[tilespmem:s26+$0x3060 ss:$0x81] =	vst.msk $0xffff, v2  }
0x10: {  	s27 =	sshra.s32 s27, $0x2;
	[tilespmem:s26+$0x0 ss:$0x81] =	vst.msk $0xffff, v1;
	s26 =	smov.u32 s10;
	s28 =	smul.u32 $0x1800, s28  }
0x11: {  	s29 =	sand.u32 $0xFFFFFC00, s29;
	s13 =	sand.u32 $0x380, s30;
	s30 =	sand.u32 $0x7F, s12  }
0x12: {  	s31 =	sand.u32 s31, s11;
	s0 =	sand.u32 s0, s2;
	s1 =	sand.u32 s1, s12  }
0x13: {  	s25 =	sadd.s32 s27, s25;
	s28 =	sadd.s32 s29, s28;
	s29 =	smov.u32 s11  }
0x14: {  	s28 =	sor.u32 s13, s28;
	s29 =	simm.s32 @!p2 $0xDF;
	p2 =	sgt.s32 s12, $0x280  }
0x15: {  	s13 =	smov.u32 s2;
	s29 =	ssub.s32 s29, s31;
	s31 =	smov.u32 s12  }
0x16: {  	s0 =	sxor.u32 $0xFFFFFFFF, s0;
	s13 =	simm.s32 @!p1 $0x1;
	s31 =	simm.s32 @!p2 $0x280  }
0x17: {  	s0 =	sadd.s32 s0, s13;
	s13 =	sadd.s32 $0xFFFFFF21, s29;
	s29 =	ssub.s32 $0xE0, s29  }
0x18: {  	s1 =	ssub.s32 s31, s1;
	p2 =	sgt.s32 s13, $0x0;
	s13 =	sor.u32 s30, s28  }
0x19: {  	p3 =	sgt.s32 s0, $0x0;
	s0 =	ssub.s32 $0x1, s0;
	s28 =	smulhi.u32 $0xAAAAAAAB, s28  }
0x1a: {  	s31 =	sadd.s32 $0xFFFFFD80, s1;
	s30 =	smulhi.u32 $0xAAAAAAAB, s13;
	s0 =	simm.s32 @p3 $0x0  }
0x1b: {  	v5 =	vld [tilespmem:s24+$0xFFFFFFD0];
	s29 =	simm.s32 @p2 $0x0;
	s1 =	ssub.s32 $0x300, s1;
	s28 =	sshrl.u32 s28, $0x9  }
0x1c: {  	v58 =	vld [tilespmem:s24+$0xFFFFFFE0];
	p1 =	sgt.s32 s31, $0x7F;
	s30 =	sshrl.u32 s30, $0x9;
	s27 =	smulhi.u32 $0x124924A, s28  }
0x1d: {  	v59 =	vld [tilespmem:s24+$0xFFFFFFF0];
	s1 =	simm.s32 @p1 $0x0;
	p1 =	sgt.s32 s10, $0x60;
	s30 =	smul.u32 $0x300, s30  }
0x1e: {  	v60 =	vld [tilespmem:s24+$0x0];
	s31 =	sshra.s32 s10, $0x1F;
	s0 =	smul.u32 s0, s1;
	s26 =	simm.s32 @!p1 $0x60  }
0x1f: {  	v61 =	vld [tilespmem:s24+$0x10];
	[tilespmem:s25+$0x3870 ss:$0x81] =	vst.msk $0xffff, v0;
	s1 =	sand.u32 s31, s10;
	s31 =	rddreg [dreg:$0x1];
	s27 =	smul.u32 $0xE0, s27  }
0x20: {  	v62 =	vld [tilespmem:s24+$0x20];
	[tilespmem:s25+$0x810 ss:$0x81] =	vst.msk $0xffff, v5;
	s1 =	ssub.s32 s26, s1;
	s13 =	ssub.s32 s13, s30;
	s0 =	smul.u32 s29, s0  }
0x21: {  	v63 =	vld [tilespmem:s24+$0xFFFFFFC0];
	[tilespmem:s25+$0x1020 ss:$0x81] =	vst.msk $0xffff, v58;
	s26 =	sadd.s32 $0xFFFFFFA0, s1;
	s29 =	smul.u32 $0x498000, s2;
	s1 =	ssub.s32 $0xE0, s1  }
0x22: {  	[tilespmem:s25+$0x1830 ss:$0x81] =	vst.msk $0xffff, v59;
	s30 =	smul.u32 $0x5400, s11;
	s28 =	ssub.s32 s28, s27;
	p1 =	sgt.s32 s26, $0x7F  }
0x23: {  	[tilespmem:s25+$0x2040 ss:$0x81] =	vst.msk $0xffff, v60;
	s1 =	simm.s32 @p1 $0x0;
	s24 =	smul.u32 $0x60, s28;
	s27 =	sadd.s32 s31, s29  }
0x24: {  	[tilespmem:s25+$0x2850 ss:$0x81] =	vst.msk $0xffff, v61;
	s29 =	sand.u32 $0x7, s13;
	s0 =	smul.u32 s1, s0;
	s28 =	sadd.s32 s30, s27  }
0x25: {  	[tilespmem:s25+$0x3060 ss:$0x81] =	vst.msk $0xffff, v62;
	s13 =	sshrl.u32 s13, $0x3;
	s30 =	sshll.u32 s29, $0x12;
	s1 =	sadd.s32 s24, s28  }
0x26: {  	[tilespmem:s25+$0x0 ss:$0x81] =	vst.msk $0xffff, v63;
	s31 =	sor.u32 $0x400, s30;
	s0 =	sand.u32 $0x3FFFFFFF, s0;
	s1 =	sadd.s32 s13, s1  }
0x27: {  	[hbm4b:s1+s31] =	stream.strided.scatter [tilespmem:s23], [sflag:$0x2], s0, s9, s31, $0x20;
	[tilespmem:$0x10100] =	vst v63  }
.LBB1_5:
0x28: {  	p1 =	slt.u32 s18, $0x2;
	s1 =	smov.u32 s22  }
0x29: {  	s23 =	smov.u32 s15;
	s24 =	smov.u32 s16;
	s25 =	smov.u32 s17  }
0x2a: {  	p0 =	por !p0, !p0;
	p2 =	sgt.s32 @!p1 s22, $0x1;
	s0 =	sshra.s32 @!p1 s22, $0x1F  }
0x2b: {  	s13 =	sshra.s32 @!p1 s21, $0x1F;
	p2 =	por !p2, p1;
	s0 =	sand.u32 @!p1 s0, s22  }
0x2c: {  	s1 =	simm.s32 @p2 $0x1;
	s0 =	sxor.u32 @!p1 $0xFFFFFFFF, s0;
	p2 =	sgt.s32 @!p1 s21, $0xDF  }
0x2d: {  	s0 =	sadd.s32 @!p1 s0, s1;
	p2 =	por !p2, p1;
	s1 =	smov.u32 s21  }
0x2e: {  	s13 =	sand.u32 @!p1 s13, s21;
	p3 =	sgt.s32 @!p1 s0, $0x0;
	s1 =	simm.s32 @p2 $0xDF  }
0x2f: {  	s0 =	ssub.s32 @!p1 $0x1, s0;
	p2 =	por !p3, p1;
	s1 =	ssub.s32 @!p1 s1, s13  }
0x30: {  	s21 =	sshra.s32 @!p1 s20, $0x1F;
	s0 =	simm.s32 @!p2 $0x0;
	s13 =	sadd.s32 @!p1 $0xFFFFFF21, s1  }
0x31: {  	p2 =	sgt.s32 @!p1 s20, $0x280;
	s1 =	ssub.s32 @!p1 $0xE0, s1;
	p3 =	sgt.s32 @!p1 s13, $0x0  }
0x32: {  	p2 =	por !p2, p1;
	s13 =	smov.u32 s20;
	s20 =	sand.u32 @!p1 s21, s20  }
0x33: {  	s21 =	sshra.s32 @!p1 s19, $0x1F;
	s13 =	simm.s32 @p2 $0x280;
	p2 =	sgt.s32 @!p1 s19, $0x60  }
0x34: {  	p3 =	por !p3, p1;
	s13 =	ssub.s32 @!p1 s13, s20;
	p2 =	por !p2, p1  }
0x35: {  	s20 =	smov.u32 s19;
	s19 =	sand.u32 @!p1 s21, s19;
	s21 =	sadd.s32 @!p1 $0xFFFFFD80, s13  }
0x36: {  	s1 =	simm.s32 @!p3 $0x0;
	s20 =	simm.s32 @p2 $0x60;
	p2 =	sgt.s32 @!p1 s21, $0x7F  }
0x37: {  	s13 =	ssub.s32 @!p1 $0x300, s13;
	s19 =	ssub.s32 @!p1 s20, s19;
	p2 =	por !p2, p1  }
0x38: {  	s20 =	sadd.s32 @!p1 $0xFFFFFFA0, s19;
	s19 =	ssub.s32 @!p1 $0xE0, s19;
	s13 =	simm.s32 @!p2 $0x0  }
0x39: {  	p2 =	sgt.s32 @!p1 s20, $0x7F;
	s0 =	smul.u32 @!p1 s0, s13;
	s13 =	sadd.s32 $0x80, s14  }
0x3a: {  	s20 =	sadd.s32 $0x10, s15;
	p2 =	por !p2, p1;
	p3 =	sgt.s32 s13, $0xDF  }
0x3b: {  	s22 =	smov.u32 s2;
	s19 =	simm.s32 @!p2 $0x0;
	s23 =	smov.u32 @p3 s20  }
0x3c: {  	s0 =	smul.u32 @!p1 s1, s0;
	s1 =	sadd.s32 $0x80, s16;
	p2 =	sgt.s32 s23, $0xDF  }
0x3d: {  	s2 =	smov.u32 s17;
	s21 =	smov.u32 s11;
	s24 =	smov.u32 @p2 s1  }
0x3e: {  	s13 =	simm.s32 @p3 $0x0;
	s1 =	sadd.s32 $0x2, s17;
	p3 =	sgt.s32 s24, $0x2FF  }
0x3f: {  	s11 =	smov.u32 s15;
	s20 =	smov.u32 s12;
	s25 =	smov.u32 @p3 s1  }
0x40: {  	s12 =	smov.u32 s16;
	s23 =	smov.u32 @p2 s7;
	p2 =	sgt.s32 s25, $0x1  }
0x41: {  	s0 =	smul.u32 @!p1 s19, s0;
	s25 =	smov.u32 @p2 s3;
	p2 =	sne.s32 s18, s8  }
.Ltmp1:
0x42: {  	s19 =	smov.u32 s10;
	s10 =	smov.u32 s14;
	(pc) =	sbr.rel @!p2 .LBB1_6-.Ltmp1, $4  }
0x43: {  	s14 =	smov.u32 s13;
	s0 =	sand.u32 @!p1 $0x3FFFFFFF, s0;
	s1 =	simm.s32 @!p1 $0x2  }
0x44: {  	s15 =	smov.u32 s23;
	s24 =	simm.s32 @p3 $0x0;
	_ =	swait.ge @!p1 [sflag:s1], s0  }
0x45: {  	s0 =	ssub.s32 @!p1 $0x0, s0;
	s16 =	smov.u32 s24;
	[sflag:s1] =	ssyncset.done @!p1 $0x0  }
0x46: {  	s18 =	sadd.s32 $0x1, s18;
	[sflag:s1] =	ssyncadd.s32 @!p1 s0;
	s17 =	smov.u32 s25  }
.LBB1_1:
0x47: {  	p1 =	sge.u32 s18, s6  }
0x48: {  	s23 =	sshll.u32 @!p1 s15, $0x8;
	s24 =	sshll.u32 @!p1 s14, $0x3  }
0x49: {  	s25 =	sshll.u32 @!p1 s15, $0x7;
	s23 =	sand.u32 @!p1 $0xFFFFF800, s23;
	s24 =	sand.u32 @!p1 $0xFFFFFC00, s24  }
0x4a: {  	s23 =	sadd.s32 @!p1 s23, s24;
	s24 =	sand.u32 @!p1 $0x300, s25  }
0x4b: {  	s23 =	sor.u32 @!p1 s24, s23  }
0x4c: {  	s23 =	sshrl.u32 @!p1 s23, $0x8  }
0x4d: {  	s24 =	smulhi.u32 @!p1 $0x124924A, s23  }
0x4e: {  	s31 =	sadd.s32 $0xFFFFFFFF, s18;
	s26 =	sxor.u32 @!p1 $0xFFFFFFFF, s18;
	s28 =	smul.u32 @!p1 $0x540000, s17  }
0x4f: {  	s27 =	sand.u32 @!p1 $0x78, s14;
	s25 =	sand.u32 @!p1 $0x80, s25;
	s24 =	smul.u32 @!p1 $0xE0, s24  }
0x50: {  	s26 =	sshll.u32 @!p1 s26, $0xE;
	s25 =	sor.u32 @!p1 s27, s25;
	s27 =	smul.u32 @!p1 $0x1C00, s16  }
0x51: {  	s23 =	ssub.s32 @!p1 s23, s24;
	s24 =	sand.u32 @!p1 $0x4000, s26;
	s26 =	sadd.s32 @!p1 s4, s28  }
0x52: {  	s25 =	sshrl.u32 @!p1 s25, $0x3;
	s26 =	sadd.s32 @!p1 s27, s26;
	s27 =	sand.u32 @!p1 $0x7, s14  }
0x53: {  	s23 =	sshll.u32 @!p1 s23, $0x5;
	s25 =	sadd.s32 @!p1 s25, s26;
	s26 =	sshll.u32 @!p1 s27, $0x12  }
0x54: {  	s23 =	sadd.s32 @!p1 s23, s25;
	s25 =	sor.u32 @!p1 $0x80, s26;
	s26 =	simm.s32 @!p1 $0xE000  }
0x55: {  	[tilespmem:s24], [sflag:$0x1] =	stream.strided.gather @!p1 [hbm4b:s23+s25], $0x4000, s26, s25, $0x38;
	[tilespmem:$0x10100] =	vst v63  }
0x56: {  	p1 =	sge.u32 s31, s6  }
.Ltmp2:
0x57: {  	_ = 	snop;
	(pc) =	sbr.rel @p1 .LBB1_5-.Ltmp2, $1  }
0x58: {  	_ =	sdelay $0x3  }
0x59: {  	s23 =	simm.s32 $0x1  }
0x5a: {  	_ =	swait.ge [sflag:s5], $0x4000;
	s23 =	simm.s32 @!p0 $0x0  }
0x5b: {  	[sflag:s5] =	ssyncset.done $0x0;
	s24 =	sshll.u32 s23, $0xE  }
0x5c: {  	[sflag:s5] =	ssyncadd.s32 $0xFFFFC000;
	s24 =	sor.u32 $0x40, s24  }
0x5d: {  	s23 =	smul.u32 $0x10200, s23;
	v0 =	vld [tilespmem:s24+$0x30]  }
0x5e: {  	v1 =	vld [tilespmem:s24+$0xFFFFFFD0]  }
0x5f: {  	s23 =	sshrl.u32 s23, $0x2;
	v5 =	vld [tilespmem:s24+$0xFFFFFFE0]  }
0x60: {  	v6 =	vld [tilespmem:s24+$0xFFFFFFF0];
	s25 =	sor.u32 $0x8000, s23  }
0x61: {  	s31 =	sand.u32 $0x1, s18;
	v4 =	vld [tilespmem:s24+$0x0];
	s26 =	sadd.s32 $0x0, s25  }
0x62: {  	v3 =	vld [tilespmem:s24+$0x10];
	s23 =	smul.u32 $0x10200, s31;
	[tilespmem:s26+$0x3870 ss:$0x81] =	vst.msk $0xffff, v0  }
0x63: {  	v2 =	vld [tilespmem:s24+$0x20];
	[tilespmem:s26+$0x810 ss:$0x81] =	vst.msk $0xffff, v1  }
0x64: {  	s23 =	sshrl.u32 s23, $0x2;
	v1 =	vld [tilespmem:s24+$0xFFFFFFC0];
	[tilespmem:s26+$0x1020 ss:$0x81] =	vst.msk $0xffff, v5;
	s24 =	sadd.s32 $0x80, s24  }
0x65: {  	s27 =	simm.s32 $0x4;
	s28 =	simm.s32 $0x8;
	s23 =	sor.u32 $0x8000, s23;
	[tilespmem:s26+$0x1830 ss:$0x81] =	vst.msk $0xffff, v6;
	v0 =	vld [tilespmem:s24+$0x30]  }
.LBB1_3:
0x66: {  	p1 =	sne.s32 s28, $0x1FC;
	v5 =	vld [tilespmem:s24+$0xFFFFFFD0];
	[tilespmem:s26+$0x2040 ss:$0x81] =	vst.msk $0xffff, v4  }
0x67: {  	v6 =	vld [tilespmem:s24+$0xFFFFFFE0];
	[tilespmem:s26+$0x2850 ss:$0x81] =	vst.msk $0xffff, v3  }
0x68: {  	s29 =	sshra.s32 s27, $0x2;
	s27 =	smov.u32 s28;
	v7 =	vld [tilespmem:s24+$0xFFFFFFF0];
	[tilespmem:s26+$0x3060 ss:$0x81] =	vst.msk $0xffff, v2  }
.Ltmp3:
0x69: {  	v4 =	vld [tilespmem:s24+$0x0];
	[tilespmem:s26+$0x0 ss:$0x81] =	vst.msk $0xffff, v1;
	s26 =	sadd.s32 s29, s25;
	(pc) =	sbr.rel @p1 .LBB1_3-.Ltmp3, $4  }
0x6a: {  	v3 =	vld [tilespmem:s24+$0x10];
	[tilespmem:s26+$0x3870 ss:$0x81] =	vst.msk $0xffff, v0  }
0x6b: {  	[tilespmem:s26+$0x810 ss:$0x81] =	vst.msk $0xffff, v5;
	v2 =	vld [tilespmem:s24+$0x20]  }
0x6c: {  	v1 =	vld [tilespmem:s24+$0xFFFFFFC0];
	[tilespmem:s26+$0x1020 ss:$0x81] =	vst.msk $0xffff, v6;
	s24 =	sadd.s32 $0x80, s24  }
0x6d: {  	s28 =	sadd.s32 $0x4, s28;
	v0 =	vld [tilespmem:s24+$0x30];
	[tilespmem:s26+$0x1830 ss:$0x81] =	vst.msk $0xffff, v7  }
.Ltmp4:
0x6e: {  	_ = 	snop;
	(pc) =	sbr.rel .LBB1_4-.Ltmp4, $1  }
0x6f: {  	_ =	sdelay $0x3  }
.LBB1_6:
0x70: {  	_ =	sfence.sel $0x180000  }
0x71: {  	s0 =	simm.s32 $0x1;
	[bflag:$0x0] =	sbarrier.arrive $0xFFFF  }
0x72: {  	s30 =	simm.s32 $0x2;
	[sflag:s0] =	ssyncpa.u1 $0x1  }
0x73: {  	[sflag:s30] =	ssyncpa.u1 $0x1  }
0x74: {  	_ =	strace $0x9000004A  }
0x75: {  	s31 =	stileid.u32;
	[bflag:$0x2] =	sbarrier.arrive $0xFFFF  }
0x76: {  	p0 =	sne.s32 s31, $0x0;
	s0 =	rddreg [dreg:$0x2]  }
0x77: {  	s0 =	sadd.s32 @!p0 $0x100000, s0  }
0x78: {  	[sflag:s0] =	ssyncadd.tile.s32 @!p0 $0x1;
	_ =	shalt  }
.Lfunc_end1:
_tile_overlayer_lowered:
.L_overlay_start_2:
0x79: {  	(tag) =	ssettag $0x2  }
0x7a: {  	s0 =	rddreg [dreg:$0x0];
	s2 =	stileid.u32  }
0x7b: {  	s1 =	rddreg [dreg:$0x1];
	p0 =	sne.s32 s2, $0x0  }
0x7c: {  	s3 =	rddreg [dreg:$0x2];
	[bflag:$0x3] =	sbarrier.arrive $0xFFFF;
	s2 =	simm.s32 @!p0 $0x1C01  }
0x7d: {  	[timem:s3], [sflag:s2] =	dma.local @!p0 [hbm:s0], s1  }
0x7e: {  	s0 =	simm.s32 @!p0 $0x1  }
0x7f: {  	_ =	swait.ge @!p0 [sflag:s0], s1  }
0x80: {  	s1 =	ssub.s32 @!p0 $0x0, s1;
	[sflag:s0] =	ssyncset.done @!p0 $0x0  }
0x81: {  	[sflag:s0] =	ssyncadd.s32 @!p0 s1  }
0x82: {  	[bflag:$0x3] =	sbarrier.arrive $0xFFFF  }
0x83: {  	_ =	shalt  }

</sc_bundles>
